<compile_context>
chip_gen: v7x
topology: tpu7x:2x2x1
jax: 0.10.2.dev20260603
libtpu: 0.0.44.dev20260713+nightly
codegen_flags: <defaults>
</compile_context>

<pallas_src>
import functools

import jax
import jax.numpy as jnp
from jax import lax
from jax.experimental import pallas as pl
from jax.experimental.pallas import tpu as pltpu
from jax.experimental.pallas import tpu_sc as plsc

B, CIN, COUT, T, E, K = 2, 768, 1024, 2048, 8, 2
N = B * T
NP = N * K
TSG = 512
PT = NP + E * TSG
NT = PT // TSG
TT = 512
NW = 32
CINW = CIN // 2
COUTW = COUT // 2



def _router_body(x_ref, rw_ref, ti_ref, tv_ref, xt_ref, rk_ref, cnt_ref,
                 acc_ref):
    x = x_ref[0]
    logits = jax.lax.dot_general(
        x, rw_ref[...], (((0,), (0,)), ((), ())),
        preferred_element_type=jnp.float32)
    m = jnp.max(logits, axis=-1, keepdims=True)
    p = jnp.exp(logits - m)
    probs = p / jnp.sum(p, axis=-1, keepdims=True)
    eidx = jax.lax.broadcasted_iota(jnp.int32, (TT, E), 1)
    v1 = jnp.max(probs, axis=-1)
    i1 = jnp.min(jnp.where(probs == v1[:, None], eidx, E), axis=-1)
    probs2 = jnp.where(eidx == i1[:, None], -1.0, probs)
    v2 = jnp.max(probs2, axis=-1)
    i2 = jnp.min(jnp.where(probs2 == v2[:, None], eidx, E), axis=-1)
    s = v1 + v2
    ti_ref[0] = jnp.stack([i1, i2])
    tv_ref[0] = jnp.stack([v1 / s, v2 / s])
    xt_ref[0] = pltpu.bitcast(x.astype(jnp.bfloat16), jnp.float32).T

    first = (pl.program_id(0) == 0) & (pl.program_id(1) == 0)

    @pl.when(first)
    def _():
        acc_ref[...] = jnp.zeros((1, E), jnp.float32)

    cnt = acc_ref[0]
    tri = (jax.lax.broadcasted_iota(jnp.int32, (TT, TT), 0)
           > jax.lax.broadcasted_iota(jnp.int32, (TT, TT), 1)
           ).astype(jnp.float32)
    oneh1 = (eidx == i1[:, None]).astype(jnp.float32)
    ex1 = jax.lax.dot_general(tri, oneh1, (((1,), (0,)), ((), ())),
                              preferred_element_type=jnp.float32)
    rank1 = (jnp.sum(ex1 * oneh1, axis=1)
             + jnp.sum(oneh1 * cnt[None, :], axis=1))
    cnt1 = cnt + jnp.sum(oneh1, axis=0)
    oneh2 = (eidx == i2[:, None]).astype(jnp.float32)
    ex2 = jax.lax.dot_general(tri, oneh2, (((1,), (0,)), ((), ())),
                              preferred_element_type=jnp.float32)
    rank2 = (jnp.sum(ex2 * oneh2, axis=1)
             + jnp.sum(oneh2 * cnt1[None, :], axis=1))
    acc_ref[...] = (cnt1 + jnp.sum(oneh2, axis=0))[None, :]
    rk_ref[0] = jnp.stack([rank1, rank2])
    cnt_ref[...] = acc_ref[...]


def _router(x, router_w):
    return pl.pallas_call(
        _router_body,
        grid=(B, T // TT),
        in_specs=[
            pl.BlockSpec((1, CIN, TT), lambda b, t: (b, 0, t)),
            pl.BlockSpec((CIN, E), lambda b, t: (0, 0)),
        ],
        out_specs=[
            pl.BlockSpec((1, K, TT), lambda b, t: (b, 0, t)),
            pl.BlockSpec((1, K, TT), lambda b, t: (b, 0, t)),
            pl.BlockSpec((1, TT, CINW), lambda b, t: (b, t, 0)),
            pl.BlockSpec((1, K, TT), lambda b, t: (b, 0, t)),
            pl.BlockSpec((1, E), lambda b, t: (0, 0)),
        ],
        out_shape=[
            jax.ShapeDtypeStruct((B, K, T), jnp.int32),
            jax.ShapeDtypeStruct((B, K, T), jnp.float32),
            jax.ShapeDtypeStruct((B, T, CINW), jnp.float32),
            jax.ShapeDtypeStruct((B, K, T), jnp.float32),
            jax.ShapeDtypeStruct((1, E), jnp.float32),
        ],
        scratch_shapes=[pltpu.VMEM((1, E), jnp.float32)],
    )(x, router_w)



_RPW2 = PT // NW
_CH2 = 48
_RPW4 = N // NW
_CH4 = 32
_NBUF = 6
_LAG = 4


def _sc_mesh():
    return plsc.VectorSubcoreMesh(core_axis_name="c", subcore_axis_name="s")


def _ring_gather(tasks, table_hbm, idx_v, row_bufs, gsems, wsems, chunk):
    nt = len(tasks)
    gd = [None] * nt
    wd = [None] * nt

    def fire_wb(u):
        gd[u].wait()
        _, out_hbm, ooff = tasks[u]
        wd[u] = pltpu.async_copy(row_bufs[u % _NBUF],
                                 out_hbm.at[pl.ds(ooff, chunk)],
                                 wsems[u % _NBUF])

    for t in range(nt):
        b = t % _NBUF
        if t >= _NBUF:
            wd[t - _NBUF].wait()
        ioff, _, _ = tasks[t]
        gd[t] = pltpu.async_copy(
            table_hbm.at[idx_v.at[pl.ds(ioff, chunk)]], row_bufs[b], gsems[b])
        if t >= _LAG:
            fire_wb(t - _LAG)
    for u in range(max(0, nt - _LAG), nt):
        fire_wb(u)
    for u in range(max(0, nt - _NBUF), nt):
        wd[u].wait()


_TPW = N // NW
_CHX = 32


def _scatter_x(p1, p2, xt32):
    @functools.partial(
        pl.kernel, mesh=_sc_mesh(),
        out_type=jax.ShapeDtypeStruct((PT, CINW), jnp.float32),
        scratch_types=(
            [pltpu.VMEM((2 * _TPW,), jnp.int32)]
            + [pltpu.VMEM((_CHX, CINW), jnp.float32)] * _NBUF
            + [pltpu.SemaphoreType.DMA] * (2 * _NBUF)
        ),
    )
    def k(p1_hbm, p2_hbm, xt_hbm, out_hbm, idx_v, r0, r1, r2, r3, r4, r5,
          g0, g1, g2, g3, g4, g5, w0, w1, w2, w3, w4, w5):
        wid = lax.axis_index("s") * 2 + lax.axis_index("c")
        base = wid * _TPW
        pltpu.sync_copy(p1_hbm.at[pl.ds(base, _TPW)],
                        idx_v.at[pl.ds(0, _TPW)])
        pltpu.sync_copy(p2_hbm.at[pl.ds(base, _TPW)],
                        idx_v.at[pl.ds(_TPW, _TPW)])
        bufs = [r0, r1, r2, r3, r4, r5]
        gsems = [g0, g1, g2, g3, g4, g5]
        wsems = [w0, w1, w2, w3, w4, w5]
        nch = _TPW // _CHX
        gd = [None] * nch
        for c in range(nch):
            gd[c] = pltpu.async_copy(
                xt_hbm.at[pl.ds(base + c * _CHX, _CHX)], bufs[c], gsems[c])
        wds = [None] * _NBUF
        si = 0
        for c in range(nch):
            gd[c].wait()
            for ioff in (c * _CHX, _TPW + c * _CHX):
                if wds[si] is not None:
                    wds[si].wait()
                wds[si] = pltpu.async_copy(
                    bufs[c], out_hbm.at[idx_v.at[pl.ds(ioff, _CHX)]],
                    wsems[si])
                si = (si + 1) % _NBUF
        for w in wds:
            if w is not None:
                w.wait()

    return k(p1, p2, xt32)


def _gather_y(p1, p2, yg32):
    @functools.partial(
        pl.kernel, mesh=_sc_mesh(),
        out_type=[jax.ShapeDtypeStruct((N, COUTW), jnp.float32),
                  jax.ShapeDtypeStruct((N, COUTW), jnp.float32)],
        scratch_types=(
            [pltpu.VMEM((2 * _RPW4,), jnp.int32)]
            + [pltpu.VMEM((_CH4, COUTW), jnp.float32)] * _NBUF
            + [pltpu.SemaphoreType.DMA] * (2 * _NBUF)
        ),
    )
    def k(p1_hbm, p2_hbm, yg_hbm, o1_hbm, o2_hbm, idx_v,
          r0, r1, r2, r3, r4, r5,
          g0, g1, g2, g3, g4, g5, w0, w1, w2, w3, w4, w5):
        wid = lax.axis_index("s") * 2 + lax.axis_index("c")
        base = wid * _RPW4
        pltpu.sync_copy(p1_hbm.at[pl.ds(base, _RPW4)],
                        idx_v.at[pl.ds(0, _RPW4)])
        pltpu.sync_copy(p2_hbm.at[pl.ds(base, _RPW4)],
                        idx_v.at[pl.ds(_RPW4, _RPW4)])
        nch = _RPW4 // _CH4
        tasks = ([(c * _CH4, o1_hbm, base + c * _CH4) for c in range(nch)]
                 + [(_RPW4 + c * _CH4, o2_hbm, base + c * _CH4)
                    for c in range(nch)])
        _ring_gather(tasks, yg_hbm, idx_v, [r0, r1, r2, r3, r4, r5],
                     [g0, g1, g2, g3, g4, g5], [w0, w1, w2, w3, w4, w5],
                     _CH4)

    return k(p1, p2, yg32)



def _mm_body(te_ref, xg_ref, ew_ref, rw_ref, eb_ref, yg_ref):
    xb = pltpu.bitcast(xg_ref[...].T, jnp.bfloat16)
    w = (ew_ref[0] + rw_ref[...]).astype(jnp.bfloat16)
    y = jax.lax.dot_general(
        w, xb, (((1,), (0,)), ((), ())),
        preferred_element_type=jnp.float32)
    y = y + eb_ref[0][0][:, None]
    yb = y.astype(jnp.bfloat16)
    yg_ref[...] = pltpu.bitcast(yb, jnp.float32).T


def _grouped_mm(tile_expert, xg32, expert_w, res_w, expert_b):
    grid_spec = pltpu.PrefetchScalarGridSpec(
        num_scalar_prefetch=1,
        grid=(NT,),
        in_specs=[
            pl.BlockSpec((TSG, CINW), lambda g, te: (g, 0)),
            pl.BlockSpec((1, COUT, CIN), lambda g, te: (te[g], 0, 0)),
            pl.BlockSpec((COUT, CIN), lambda g, te: (0, 0)),
            pl.BlockSpec((1, 1, COUT), lambda g, te: (te[g], 0, 0)),
        ],
        out_specs=pl.BlockSpec((TSG, COUTW), lambda g, te: (g, 0)),
    )
    return pl.pallas_call(
        _mm_body,
        grid_spec=grid_spec,
        out_shape=jax.ShapeDtypeStruct((PT, COUTW), jnp.float32),
    )(tile_expert, xg32, expert_w, res_w, expert_b.reshape(E, 1, COUT))



def _ep_body(resb_ref, tv_ref, o1_ref, o2_ref, out_ref):
    y1 = pltpu.bitcast(o1_ref[...].T, jnp.bfloat16)
    y2 = pltpu.bitcast(o2_ref[...].T, jnp.bfloat16)
    v = tv_ref[0]
    acc = resb_ref[0][:, None] + (
        y1.astype(jnp.float32) * v[0][None, :]
        + y2.astype(jnp.float32) * v[1][None, :])
    out_ref[0] = acc


def _epilogue(res_b, tv, o1, o2):
    nt = T // TT
    return pl.pallas_call(
        _ep_body,
        grid=(B, nt),
        in_specs=[
            pl.BlockSpec((1, COUT), lambda b, t: (0, 0)),
            pl.BlockSpec((1, K, TT), lambda b, t: (b, 0, t)),
            pl.BlockSpec((TT, COUTW), lambda b, t: (b * nt + t, 0)),
            pl.BlockSpec((TT, COUTW), lambda b, t: (b * nt + t, 0)),
        ],
        out_specs=pl.BlockSpec((1, COUT, TT), lambda b, t: (b, 0, t)),
        out_shape=jax.ShapeDtypeStruct((B, COUT, T), jnp.float32),
    )(res_b.reshape(1, COUT), tv, o1, o2)



@jax.jit
def _run(x, router_w, expert_w, expert_b, res_w, res_b):
    ti, tv, xt32, rk, cnt = _router(x, router_w)
    topi = jnp.transpose(ti, (0, 2, 1))
    topv = jnp.transpose(tv, (0, 2, 1))

    counts = cnt[0].astype(jnp.int32)
    padded = ((counts + TSG - 1) // TSG) * TSG
    pend = jnp.cumsum(padded)
    pstart = pend - padded
    pstart_sel = jnp.sum(
        pstart[None, None, None, :]
        * (ti[..., None] == jnp.arange(E, dtype=jnp.int32)).astype(jnp.int32),
        axis=-1)
    ppos_bkt = pstart_sel + rk.astype(jnp.int32)
    tile_start = jnp.arange(NT, dtype=jnp.int32) * TSG
    tile_expert = jnp.minimum(
        jnp.sum((tile_start[:, None] >= pend[None, :]).astype(jnp.int32),
                axis=1), E - 1).astype(jnp.int32)
    p1 = ppos_bkt[:, 0, :].reshape(N)
    p2 = ppos_bkt[:, 1, :].reshape(N)

    xt32 = xt32.reshape(N, CINW)
    xg32 = _scatter_x(p1, p2, xt32)
    yg32 = _grouped_mm(tile_expert, xg32, expert_w, res_w, expert_b)
    o1, o2 = _gather_y(p1, p2, yg32)

    out = _epilogue(res_b, tv, o1, o2)
    return out, (topi, topv)


def kernel(x, router_w, expert_w, expert_b, res_w, res_b):
    return _run(x, router_w, expert_w, expert_b, res_w, res_b)

# --- scband reference (transcript-rebuilt; emitter-appended) ---
"""Pipeline reference for scband-residual-tpmo-eblock-85083302133972 (READ-ONLY COPY).

The authoritative reference and input builder live on the scoring server;
editing this copy changes nothing except your own understanding.
"""

import jax, jax.numpy as jnp
import numpy as np

B, CIN, COUT, T, E, K = 2, 768, 1024, 2048, 8, 2


def setup_inputs(seed: int = 0) -> dict:
    key = jax.random.key(seed)
    ks = jax.random.split(key, 6)
    x = jax.random.normal(ks[0], (B, CIN, T), dtype=jnp.float32)
    # router: linear over channel dim -> per-time-step expert logits
    router_w = jax.random.normal(ks[1], (CIN, E), dtype=jnp.float32) * 0.02
    # experts: E independent 1x1 conv (pointwise linear) layers CIN -> COUT
    expert_w = jax.random.normal(ks[2], (E, COUT, CIN), dtype=jnp.float32) * 0.02
    expert_b = jnp.zeros((E, COUT), dtype=jnp.float32)
    # residual projection 1x1 conv CIN -> COUT (input_dim != output_dim)
    res_w = jax.random.normal(ks[3], (COUT, CIN), dtype=jnp.float32) * 0.02
    res_b = jnp.zeros((COUT,), dtype=jnp.float32)
    return {"x": x, "router_w": router_w, "expert_w": expert_w,
            "expert_b": expert_b, "res_w": res_w, "res_b": res_b}


def reference(x, router_w, expert_w, expert_b, res_w, res_b):
    # residual_proj: Conv1d(input_dim, output_dim, kernel_size=1)
    identity = jnp.einsum('oc,bct->bot', res_w, x) + res_b[None, :, None]
    # TPMoE: router over channels at each time position
    logits = jnp.einsum('bct,ce->bte', x, router_w)           # [B, T, E]
    probs = jax.nn.softmax(logits, axis=-1)
    topv, topi = jax.lax.top_k(probs, K)                      # [B, T, K]
    topv = topv / jnp.sum(topv, axis=-1, keepdims=True)       # renormalize top-k gates
    gates = jnp.sum(topv[..., None] * jax.nn.one_hot(topi, E, dtype=topv.dtype), axis=-2)  # [B, T, E]
    # run every expert (dense dispatch reference), each a 1x1 conv CIN->COUT
    eout = jnp.einsum('eoc,bct->beot', expert_w, x) + expert_b[None, :, :, None]  # [B, E, COUT, T]
    out = jnp.einsum('bte,beot->bot', gates, eout)            # [B, COUT, T]
    # time length of out matches identity, so no adaptive_avg_pool1d needed
    return out + identity, (topi, topv)

if __name__ == "__main__":
    import jax
    _d = setup_inputs()
    print(jax.jit(kernel)(*tuple(_d.values())))

</pallas_src>

<mosaic_0001>
#map = affine_map<(d0, d1) -> (0)>
#map1 = affine_map<(d0, d1) -> (0, 0)>
module attributes {stable_mosaic.version = 14 : i64} {
  func.func @k(%arg0: i32, %arg1: i32, %arg2: memref<4096xi32, #tpu.memory_space<hbm>>, %arg3: memref<4096xi32, #tpu.memory_space<hbm>>, %arg4: memref<12288x512xf32, #tpu.memory_space<hbm>>, %arg5: memref<4096x512xf32, #tpu.memory_space<hbm>>, %arg6: memref<4096x512xf32, #tpu.memory_space<hbm>>, %arg7: memref<256xi32, #tpu.memory_space<vmem>>, %arg8: memref<32x512xf32, #tpu.memory_space<vmem>>, %arg9: memref<32x512xf32, #tpu.memory_space<vmem>>, %arg10: memref<32x512xf32, #tpu.memory_space<vmem>>, %arg11: memref<32x512xf32, #tpu.memory_space<vmem>>, %arg12: memref<32x512xf32, #tpu.memory_space<vmem>>, %arg13: memref<32x512xf32, #tpu.memory_space<vmem>>, %arg14: memref<!tpu.dma_semaphore, #tpu.memory_space<semaphore_mem>>, %arg15: memref<!tpu.dma_semaphore, #tpu.memory_space<semaphore_mem>>, %arg16: memref<!tpu.dma_semaphore, #tpu.memory_space<semaphore_mem>>, %arg17: memref<!tpu.dma_semaphore, #tpu.memory_space<semaphore_mem>>, %arg18: memref<!tpu.dma_semaphore, #tpu.memory_space<semaphore_mem>>, %arg19: memref<!tpu.dma_semaphore, #tpu.memory_space<semaphore_mem>>, %arg20: memref<!tpu.dma_semaphore, #tpu.memory_space<semaphore_mem>>, %arg21: memref<!tpu.dma_semaphore, #tpu.memory_space<semaphore_mem>>, %arg22: memref<!tpu.dma_semaphore, #tpu.memory_space<semaphore_mem>>, %arg23: memref<!tpu.dma_semaphore, #tpu.memory_space<semaphore_mem>>, %arg24: memref<!tpu.dma_semaphore, #tpu.memory_space<semaphore_mem>>, %arg25: memref<!tpu.dma_semaphore, #tpu.memory_space<semaphore_mem>>) attributes {dimension_semantics = [#tpu.dimension_semantics<core_parallel>, #tpu.dimension_semantics<subcore_parallel>], iteration_bounds = array<i64: 2, 16>, scalar_prefetch = 0 : i64, scratch_operands = 19 : i64, tpu.core_type = #tpu.core_type<sc_vector_subcore>, window_params = [{transform_indices = #map}, {transform_indices = #map}, {transform_indices = #map1}, {transform_indices = #map1}, {transform_indices = #map1}]} {
    %mul3A = arith.constant 2 : i32
    %mul3A_0 = arith.muli %arg1, %mul3A : i32
    %add3A = arith.addi %mul3A_0, %arg0 : i32
    %mul3A_1 = arith.constant 128 : i32
    %mul3A_2 = arith.muli %add3A, %mul3A_1 : i32
    "tpu.region"() ({
      %run_scoped3A = tpu.sem_alloc : memref<!tpu.dma_semaphore, #tpu.memory_space<semaphore_mem>>
      %dma_start3A_161 = arith.constant 0 : i32
      %dma_start3A_162 = tpu.memref_slice %arg7[%dma_start3A_161] : memref<256xi32, #tpu.memory_space<vmem>> -> memref<128xi32, #tpu.memory_space<vmem>>
      %dma_start3A_163 = tpu.memref_slice %arg2[%mul3A_2] : memref<4096xi32, #tpu.memory_space<hbm>> -> memref<128xi32, #tpu.memory_space<hbm>>
      %dma_start3A_164 = arith.constant 0 : i32
      %dma_start3A_165 = tpu.memref_slice %arg7[%dma_start3A_164] : memref<256xi32, #tpu.memory_space<vmem>> -> memref<128xi32, #tpu.memory_space<vmem>>
      %dma_start3A_166 = tpu.memref_slice %arg2[%mul3A_2] : memref<4096xi32, #tpu.memory_space<hbm>> -> memref<128xi32, #tpu.memory_space<hbm>>
      tpu.enqueue_dma source(%dma_start3A_166 : memref<128xi32, #tpu.memory_space<hbm>>) target(%dma_start3A_165 : memref<128xi32, #tpu.memory_space<vmem>>) target_semaphore(%run_scoped3A : memref<!tpu.dma_semaphore, #tpu.memory_space<semaphore_mem>>)
      %dma_wait3A_167 = arith.constant 0 : i32
      %dma_wait3A_168 = tpu.memref_slice %arg7[%dma_wait3A_167] : memref<256xi32, #tpu.memory_space<vmem>> -> memref<128xi32, #tpu.memory_space<vmem>>
      %dma_wait3A_169 = tpu.memref_slice %arg2[%mul3A_2] : memref<4096xi32, #tpu.memory_space<hbm>> -> memref<128xi32, #tpu.memory_space<hbm>>
      %dma_wait3A_170 = arith.constant 0 : i32
      %dma_wait3A_171 = tpu.memref_slice %arg7[%dma_wait3A_170] : memref<256xi32, #tpu.memory_space<vmem>> -> memref<128xi32, #tpu.memory_space<vmem>>
      %dma_wait3A_172 = tpu.memref_slice %arg2[%mul3A_2] : memref<4096xi32, #tpu.memory_space<hbm>> -> memref<128xi32, #tpu.memory_space<hbm>>
      tpu.wait_dma2 semaphore(%run_scoped3A : memref<!tpu.dma_semaphore, #tpu.memory_space<semaphore_mem>>) src(%dma_wait3A_172 : memref<128xi32, #tpu.memory_space<hbm>>) dst(%dma_wait3A_171 : memref<128xi32, #tpu.memory_space<vmem>>)
      tpu.yield
    }) : () -> ()
    "tpu.region"() ({
      %run_scoped3A = tpu.sem_alloc : memref<!tpu.dma_semaphore, #tpu.memory_space<semaphore_mem>>
      %dma_start3A_161 = arith.constant 128 : i32
      %dma_start3A_162 = tpu.memref_slice %arg7[%dma_start3A_161] : memref<256xi32, #tpu.memory_space<vmem>> -> memref<128xi32, #tpu.memory_space<vmem>>
      %dma_start3A_163 = tpu.memref_slice %arg3[%mul3A_2] : memref<4096xi32, #tpu.memory_space<hbm>> -> memref<128xi32, #tpu.memory_space<hbm>>
      %dma_start3A_164 = arith.constant 128 : i32
      %dma_start3A_165 = tpu.memref_slice %arg7[%dma_start3A_164] : memref<256xi32, #tpu.memory_space<vmem>> -> memref<128xi32, #tpu.memory_space<vmem>>
      %dma_start3A_166 = tpu.memref_slice %arg3[%mul3A_2] : memref<4096xi32, #tpu.memory_space<hbm>> -> memref<128xi32, #tpu.memory_space<hbm>>
      tpu.enqueue_dma source(%dma_start3A_166 : memref<128xi32, #tpu.memory_space<hbm>>) target(%dma_start3A_165 : memref<128xi32, #tpu.memory_space<vmem>>) target_semaphore(%run_scoped3A : memref<!tpu.dma_semaphore, #tpu.memory_space<semaphore_mem>>)
      %dma_wait3A_167 = arith.constant 128 : i32
      %dma_wait3A_168 = tpu.memref_slice %arg7[%dma_wait3A_167] : memref<256xi32, #tpu.memory_space<vmem>> -> memref<128xi32, #tpu.memory_space<vmem>>
      %dma_wait3A_169 = tpu.memref_slice %arg3[%mul3A_2] : memref<4096xi32, #tpu.memory_space<hbm>> -> memref<128xi32, #tpu.memory_space<hbm>>
      %dma_wait3A_170 = arith.constant 128 : i32
      %dma_wait3A_171 = tpu.memref_slice %arg7[%dma_wait3A_170] : memref<256xi32, #tpu.memory_space<vmem>> -> memref<128xi32, #tpu.memory_space<vmem>>
      %dma_wait3A_172 = tpu.memref_slice %arg3[%mul3A_2] : memref<4096xi32, #tpu.memory_space<hbm>> -> memref<128xi32, #tpu.memory_space<hbm>>
      tpu.wait_dma2 semaphore(%run_scoped3A : memref<!tpu.dma_semaphore, #tpu.memory_space<semaphore_mem>>) src(%dma_wait3A_172 : memref<128xi32, #tpu.memory_space<hbm>>) dst(%dma_wait3A_171 : memref<128xi32, #tpu.memory_space<vmem>>)
      tpu.yield
    }) : () -> ()
    %add3A_3 = arith.constant 0 : i32
    %add3A_4 = arith.addi %mul3A_2, %add3A_3 : i32
    %add3A_5 = arith.constant 32 : i32
    %add3A_6 = arith.addi %mul3A_2, %add3A_5 : i32
    %add3A_7 = arith.constant 64 : i32
    %add3A_8 = arith.addi %mul3A_2, %add3A_7 : i32
    %add3A_9 = arith.constant 96 : i32
    %add3A_10 = arith.addi %mul3A_2, %add3A_9 : i32
    %add3A_11 = arith.constant 0 : i32
    %add3A_12 = arith.addi %mul3A_2, %add3A_11 : i32
    %add3A_13 = arith.constant 32 : i32
    %add3A_14 = arith.addi %mul3A_2, %add3A_13 : i32
    %add3A_15 = arith.constant 64 : i32
    %add3A_16 = arith.addi %mul3A_2, %add3A_15 : i32
    %add3A_17 = arith.constant 96 : i32
    %add3A_18 = arith.addi %mul3A_2, %add3A_17 : i32
    %dma_start3A = arith.constant 0 : i32
    %dma_start3A_19 = tpu.memref_slice %arg7[%dma_start3A] : memref<256xi32, #tpu.memory_space<vmem>> -> memref<32xi32, #tpu.memory_space<vmem>>
    %dma_start3A_20 = arith.constant 0 : i32
    %dma_start3A_21 = arith.constant 0 : i32
    %dma_start3A_22 = tpu.memref_slice %arg4[%dma_start3A_20, %dma_start3A_21] : memref<12288x512xf32, #tpu.memory_space<hbm>> -> memref<12288x512xf32, #tpu.memory_space<hbm>>
    tpu.enqueue_indirect_dma source(%dma_start3A_22 : memref<12288x512xf32, #tpu.memory_space<hbm>>) target(%arg8 : memref<32x512xf32, #tpu.memory_space<vmem>>) offsets(%dma_start3A_19 : memref<32xi32, #tpu.memory_space<vmem>>) semaphore(%arg14 : memref<!tpu.dma_semaphore, #tpu.memory_space<semaphore_mem>>)
    %dma_start3A_23 = arith.constant 32 : i32
    %dma_start3A_24 = tpu.memref_slice %arg7[%dma_start3A_23] : memref<256xi32, #tpu.memory_space<vmem>> -> memref<32xi32, #tpu.memory_space<vmem>>
    %dma_start3A_25 = arith.constant 0 : i32
    %dma_start3A_26 = arith.constant 0 : i32
    %dma_start3A_27 = tpu.memref_slice %arg4[%dma_start3A_25, %dma_start3A_26] : memref<12288x512xf32, #tpu.memory_space<hbm>> -> memref<12288x512xf32, #tpu.memory_space<hbm>>
    tpu.enqueue_indirect_dma source(%dma_start3A_27 : memref<12288x512xf32, #tpu.memory_space<hbm>>) target(%arg9 : memref<32x512xf32, #tpu.memory_space<vmem>>) offsets(%dma_start3A_24 : memref<32xi32, #tpu.memory_space<vmem>>) semaphore(%arg15 : memref<!tpu.dma_semaphore, #tpu.memory_space<semaphore_mem>>)
    %dma_start3A_28 = arith.constant 64 : i32
    %dma_start3A_29 = tpu.memref_slice %arg7[%dma_start3A_28] : memref<256xi32, #tpu.memory_space<vmem>> -> memref<32xi32, #tpu.memory_space<vmem>>
    %dma_start3A_30 = arith.constant 0 : i32
    %dma_start3A_31 = arith.constant 0 : i32
    %dma_start3A_32 = tpu.memref_slice %arg4[%dma_start3A_30, %dma_start3A_31] : memref<12288x512xf32, #tpu.memory_space<hbm>> -> memref<12288x512xf32, #tpu.memory_space<hbm>>
    tpu.enqueue_indirect_dma source(%dma_start3A_32 : memref<12288x512xf32, #tpu.memory_space<hbm>>) target(%arg10 : memref<32x512xf32, #tpu.memory_space<vmem>>) offsets(%dma_start3A_29 : memref<32xi32, #tpu.memory_space<vmem>>) semaphore(%arg16 : memref<!tpu.dma_semaphore, #tpu.memory_space<semaphore_mem>>)
    %dma_start3A_33 = arith.constant 96 : i32
    %dma_start3A_34 = tpu.memref_slice %arg7[%dma_start3A_33] : memref<256xi32, #tpu.memory_space<vmem>> -> memref<32xi32, #tpu.memory_space<vmem>>
    %dma_start3A_35 = arith.constant 0 : i32
    %dma_start3A_36 = arith.constant 0 : i32
    %dma_start3A_37 = tpu.memref_slice %arg4[%dma_start3A_35, %dma_start3A_36] : memref<12288x512xf32, #tpu.memory_space<hbm>> -> memref<12288x512xf32, #tpu.memory_space<hbm>>
    tpu.enqueue_indirect_dma source(%dma_start3A_37 : memref<12288x512xf32, #tpu.memory_space<hbm>>) target(%arg11 : memref<32x512xf32, #tpu.memory_space<vmem>>) offsets(%dma_start3A_34 : memref<32xi32, #tpu.memory_space<vmem>>) semaphore(%arg17 : memref<!tpu.dma_semaphore, #tpu.memory_space<semaphore_mem>>)
    %dma_start3A_38 = arith.constant 128 : i32
    %dma_start3A_39 = tpu.memref_slice %arg7[%dma_start3A_38] : memref<256xi32, #tpu.memory_space<vmem>> -> memref<32xi32, #tpu.memory_space<vmem>>
    %dma_start3A_40 = arith.constant 0 : i32
    %dma_start3A_41 = arith.constant 0 : i32
    %dma_start3A_42 = tpu.memref_slice %arg4[%dma_start3A_40, %dma_start3A_41] : memref<12288x512xf32, #tpu.memory_space<hbm>> -> memref<12288x512xf32, #tpu.memory_space<hbm>>
    tpu.enqueue_indirect_dma source(%dma_start3A_42 : memref<12288x512xf32, #tpu.memory_space<hbm>>) target(%arg12 : memref<32x512xf32, #tpu.memory_space<vmem>>) offsets(%dma_start3A_39 : memref<32xi32, #tpu.memory_space<vmem>>) semaphore(%arg18 : memref<!tpu.dma_semaphore, #tpu.memory_space<semaphore_mem>>)
    %dma_wait3A = arith.constant 0 : i32
    %dma_wait3A_43 = tpu.memref_slice %arg7[%dma_wait3A] : memref<256xi32, #tpu.memory_space<vmem>> -> memref<32xi32, #tpu.memory_space<vmem>>
    %dma_wait3A_44 = arith.constant 0 : i32
    %dma_wait3A_45 = arith.constant 0 : i32
    %dma_wait3A_46 = tpu.memref_slice %arg4[%dma_wait3A_44, %dma_wait3A_45] : memref<12288x512xf32, #tpu.memory_space<hbm>> -> memref<12288x512xf32, #tpu.memory_space<hbm>>
    tpu.wait_indirect_dma semaphore(%arg14 : memref<!tpu.dma_semaphore, #tpu.memory_space<semaphore_mem>>) src(%dma_wait3A_46 : memref<12288x512xf32, #tpu.memory_space<hbm>>) dst(%arg8 : memref<32x512xf32, #tpu.memory_space<vmem>>)
    %dma_start3A_47 = arith.constant 0 : i32
    %dma_start3A_48 = tpu.memref_slice %arg5[%add3A_4, %dma_start3A_47] : memref<4096x512xf32, #tpu.memory_space<hbm>> -> memref<32x512xf32, #tpu.memory_space<hbm>>
    %dma_start3A_49 = arith.constant 0 : i32
    %dma_start3A_50 = tpu.memref_slice %arg5[%add3A_4, %dma_start3A_49] : memref<4096x512xf32, #tpu.memory_space<hbm>> -> memref<32x512xf32, #tpu.memory_space<hbm>>
    tpu.enqueue_dma source(%arg8 : memref<32x512xf32, #tpu.memory_space<vmem>>) target(%dma_start3A_50 : memref<32x512xf32, #tpu.memory_space<hbm>>) target_semaphore(%arg20 : memref<!tpu.dma_semaphore, #tpu.memory_space<semaphore_mem>>)
    %dma_start3A_51 = arith.constant 160 : i32
    %dma_start3A_52 = tpu.memref_slice %arg7[%dma_start3A_51] : memref<256xi32, #tpu.memory_space<vmem>> -> memref<32xi32, #tpu.memory_space<vmem>>
    %dma_start3A_53 = arith.constant 0 : i32
    %dma_start3A_54 = arith.constant 0 : i32
    %dma_start3A_55 = tpu.memref_slice %arg4[%dma_start3A_53, %dma_start3A_54] : memref<12288x512xf32, #tpu.memory_space<hbm>> -> memref<12288x512xf32, #tpu.memory_space<hbm>>
    tpu.enqueue_indirect_dma source(%dma_start3A_55 : memref<12288x512xf32, #tpu.memory_space<hbm>>) target(%arg13 : memref<32x512xf32, #tpu.memory_space<vmem>>) offsets(%dma_start3A_52 : memref<32xi32, #tpu.memory_space<vmem>>) semaphore(%arg19 : memref<!tpu.dma_semaphore, #tpu.memory_space<semaphore_mem>>)
    %dma_wait3A_56 = arith.constant 32 : i32
    %dma_wait3A_57 = tpu.memref_slice %arg7[%dma_wait3A_56] : memref<256xi32, #tpu.memory_space<vmem>> -> memref<32xi32, #tpu.memory_space<vmem>>
    %dma_wait3A_58 = arith.constant 0 : i32
    %dma_wait3A_59 = arith.constant 0 : i32
    %dma_wait3A_60 = tpu.memref_slice %arg4[%dma_wait3A_58, %dma_wait3A_59] : memref<12288x512xf32, #tpu.memory_space<hbm>> -> memref<12288x512xf32, #tpu.memory_space<hbm>>
    tpu.wait_indirect_dma semaphore(%arg15 : memref<!tpu.dma_semaphore, #tpu.memory_space<semaphore_mem>>) src(%dma_wait3A_60 : memref<12288x512xf32, #tpu.memory_space<hbm>>) dst(%arg9 : memref<32x512xf32, #tpu.memory_space<vmem>>)
    %dma_start3A_61 = arith.constant 0 : i32
    %dma_start3A_62 = tpu.memref_slice %arg5[%add3A_6, %dma_start3A_61] : memref<4096x512xf32, #tpu.memory_space<hbm>> -> memref<32x512xf32, #tpu.memory_space<hbm>>
    %dma_start3A_63 = arith.constant 0 : i32
    %dma_start3A_64 = tpu.memref_slice %arg5[%add3A_6, %dma_start3A_63] : memref<4096x512xf32, #tpu.memory_space<hbm>> -> memref<32x512xf32, #tpu.memory_space<hbm>>
    tpu.enqueue_dma source(%arg9 : memref<32x512xf32, #tpu.memory_space<vmem>>) target(%dma_start3A_64 : memref<32x512xf32, #tpu.memory_space<hbm>>) target_semaphore(%arg21 : memref<!tpu.dma_semaphore, #tpu.memory_space<semaphore_mem>>)
    %dma_wait3A_65 = arith.constant 0 : i32
    %dma_wait3A_66 = tpu.memref_slice %arg5[%add3A_4, %dma_wait3A_65] : memref<4096x512xf32, #tpu.memory_space<hbm>> -> memref<32x512xf32, #tpu.memory_space<hbm>>
    %dma_wait3A_67 = arith.constant 0 : i32
    %dma_wait3A_68 = tpu.memref_slice %arg5[%add3A_4, %dma_wait3A_67] : memref<4096x512xf32, #tpu.memory_space<hbm>> -> memref<32x512xf32, #tpu.memory_space<hbm>>
    tpu.wait_dma2 semaphore(%arg20 : memref<!tpu.dma_semaphore, #tpu.memory_space<semaphore_mem>>) src(%arg8 : memref<32x512xf32, #tpu.memory_space<vmem>>) dst(%dma_wait3A_68 : memref<32x512xf32, #tpu.memory_space<hbm>>)
    %dma_start3A_69 = arith.constant 192 : i32
    %dma_start3A_70 = tpu.memref_slice %arg7[%dma_start3A_69] : memref<256xi32, #tpu.memory_space<vmem>> -> memref<32xi32, #tpu.memory_space<vmem>>
    %dma_start3A_71 = arith.constant 0 : i32
    %dma_start3A_72 = arith.constant 0 : i32
    %dma_start3A_73 = tpu.memref_slice %arg4[%dma_start3A_71, %dma_start3A_72] : memref<12288x512xf32, #tpu.memory_space<hbm>> -> memref<12288x512xf32, #tpu.memory_space<hbm>>
    tpu.enqueue_indirect_dma source(%dma_start3A_73 : memref<12288x512xf32, #tpu.memory_space<hbm>>) target(%arg8 : memref<32x512xf32, #tpu.memory_space<vmem>>) offsets(%dma_start3A_70 : memref<32xi32, #tpu.memory_space<vmem>>) semaphore(%arg14 : memref<!tpu.dma_semaphore, #tpu.memory_space<semaphore_mem>>)
    %dma_wait3A_74 = arith.constant 64 : i32
    %dma_wait3A_75 = tpu.memref_slice %arg7[%dma_wait3A_74] : memref<256xi32, #tpu.memory_space<vmem>> -> memref<32xi32, #tpu.memory_space<vmem>>
    %dma_wait3A_76 = arith.constant 0 : i32
    %dma_wait3A_77 = arith.constant 0 : i32
    %dma_wait3A_78 = tpu.memref_slice %arg4[%dma_wait3A_76, %dma_wait3A_77] : memref<12288x512xf32, #tpu.memory_space<hbm>> -> memref<12288x512xf32, #tpu.memory_space<hbm>>
    tpu.wait_indirect_dma semaphore(%arg16 : memref<!tpu.dma_semaphore, #tpu.memory_space<semaphore_mem>>) src(%dma_wait3A_78 : memref<12288x512xf32, #tpu.memory_space<hbm>>) dst(%arg10 : memref<32x512xf32, #tpu.memory_space<vmem>>)
    %dma_start3A_79 = arith.constant 0 : i32
    %dma_start3A_80 = tpu.memref_slice %arg5[%add3A_8, %dma_start3A_79] : memref<4096x512xf32, #tpu.memory_space<hbm>> -> memref<32x512xf32, #tpu.memory_space<hbm>>
    %dma_start3A_81 = arith.constant 0 : i32
    %dma_start3A_82 = tpu.memref_slice %arg5[%add3A_8, %dma_start3A_81] : memref<4096x512xf32, #tpu.memory_space<hbm>> -> memref<32x512xf32, #tpu.memory_space<hbm>>
    tpu.enqueue_dma source(%arg10 : memref<32x512xf32, #tpu.memory_space<vmem>>) target(%dma_start3A_82 : memref<32x512xf32, #tpu.memory_space<hbm>>) target_semaphore(%arg22 : memref<!tpu.dma_semaphore, #tpu.memory_space<semaphore_mem>>)
    %dma_wait3A_83 = arith.constant 0 : i32
    %dma_wait3A_84 = tpu.memref_slice %arg5[%add3A_6, %dma_wait3A_83] : memref<4096x512xf32, #tpu.memory_space<hbm>> -> memref<32x512xf32, #tpu.memory_space<hbm>>
    %dma_wait3A_85 = arith.constant 0 : i32
    %dma_wait3A_86 = tpu.memref_slice %arg5[%add3A_6, %dma_wait3A_85] : memref<4096x512xf32, #tpu.memory_space<hbm>> -> memref<32x512xf32, #tpu.memory_space<hbm>>
    tpu.wait_dma2 semaphore(%arg21 : memref<!tpu.dma_semaphore, #tpu.memory_space<semaphore_mem>>) src(%arg9 : memref<32x512xf32, #tpu.memory_space<vmem>>) dst(%dma_wait3A_86 : memref<32x512xf32, #tpu.memory_space<hbm>>)
    %dma_start3A_87 = arith.constant 224 : i32
    %dma_start3A_88 = tpu.memref_slice %arg7[%dma_start3A_87] : memref<256xi32, #tpu.memory_space<vmem>> -> memref<32xi32, #tpu.memory_space<vmem>>
    %dma_start3A_89 = arith.constant 0 : i32
    %dma_start3A_90 = arith.constant 0 : i32
    %dma_start3A_91 = tpu.memref_slice %arg4[%dma_start3A_89, %dma_start3A_90] : memref<12288x512xf32, #tpu.memory_space<hbm>> -> memref<12288x512xf32, #tpu.memory_space<hbm>>
    tpu.enqueue_indirect_dma source(%dma_start3A_91 : memref<12288x512xf32, #tpu.memory_space<hbm>>) target(%arg9 : memref<32x512xf32, #tpu.memory_space<vmem>>) offsets(%dma_start3A_88 : memref<32xi32, #tpu.memory_space<vmem>>) semaphore(%arg15 : memref<!tpu.dma_semaphore, #tpu.memory_space<semaphore_mem>>)
    %dma_wait3A_92 = arith.constant 96 : i32
    %dma_wait3A_93 = tpu.memref_slice %arg7[%dma_wait3A_92] : memref<256xi32, #tpu.memory_space<vmem>> -> memref<32xi32, #tpu.memory_space<vmem>>
    %dma_wait3A_94 = arith.constant 0 : i32
    %dma_wait3A_95 = arith.constant 0 : i32
    %dma_wait3A_96 = tpu.memref_slice %arg4[%dma_wait3A_94, %dma_wait3A_95] : memref<12288x512xf32, #tpu.memory_space<hbm>> -> memref<12288x512xf32, #tpu.memory_space<hbm>>
    tpu.wait_indirect_dma semaphore(%arg17 : memref<!tpu.dma_semaphore, #tpu.memory_space<semaphore_mem>>) src(%dma_wait3A_96 : memref<12288x512xf32, #tpu.memory_space<hbm>>) dst(%arg11 : memref<32x512xf32, #tpu.memory_space<vmem>>)
    %dma_start3A_97 = arith.constant 0 : i32
    %dma_start3A_98 = tpu.memref_slice %arg5[%add3A_10, %dma_start3A_97] : memref<4096x512xf32, #tpu.memory_space<hbm>> -> memref<32x512xf32, #tpu.memory_space<hbm>>
    %dma_start3A_99 = arith.constant 0 : i32
    %dma_start3A_100 = tpu.memref_slice %arg5[%add3A_10, %dma_start3A_99] : memref<4096x512xf32, #tpu.memory_space<hbm>> -> memref<32x512xf32, #tpu.memory_space<hbm>>
    tpu.enqueue_dma source(%arg11 : memref<32x512xf32, #tpu.memory_space<vmem>>) target(%dma_start3A_100 : memref<32x512xf32, #tpu.memory_space<hbm>>) target_semaphore(%arg23 : memref<!tpu.dma_semaphore, #tpu.memory_space<semaphore_mem>>)
    %dma_wait3A_101 = arith.constant 128 : i32
    %dma_wait3A_102 = tpu.memref_slice %arg7[%dma_wait3A_101] : memref<256xi32, #tpu.memory_space<vmem>> -> memref<32xi32, #tpu.memory_space<vmem>>
    %dma_wait3A_103 = arith.constant 0 : i32
    %dma_wait3A_104 = arith.constant 0 : i32
    %dma_wait3A_105 = tpu.memref_slice %arg4[%dma_wait3A_103, %dma_wait3A_104] : memref<12288x512xf32, #tpu.memory_space<hbm>> -> memref<12288x512xf32, #tpu.memory_space<hbm>>
    tpu.wait_indirect_dma semaphore(%arg18 : memref<!tpu.dma_semaphore, #tpu.memory_space<semaphore_mem>>) src(%dma_wait3A_105 : memref<12288x512xf32, #tpu.memory_space<hbm>>) dst(%arg12 : memref<32x512xf32, #tpu.memory_space<vmem>>)
    %dma_start3A_106 = arith.constant 0 : i32
    %dma_start3A_107 = tpu.memref_slice %arg6[%add3A_12, %dma_start3A_106] : memref<4096x512xf32, #tpu.memory_space<hbm>> -> memref<32x512xf32, #tpu.memory_space<hbm>>
    %dma_start3A_108 = arith.constant 0 : i32
    %dma_start3A_109 = tpu.memref_slice %arg6[%add3A_12, %dma_start3A_108] : memref<4096x512xf32, #tpu.memory_space<hbm>> -> memref<32x512xf32, #tpu.memory_space<hbm>>
    tpu.enqueue_dma source(%arg12 : memref<32x512xf32, #tpu.memory_space<vmem>>) target(%dma_start3A_109 : memref<32x512xf32, #tpu.memory_space<hbm>>) target_semaphore(%arg24 : memref<!tpu.dma_semaphore, #tpu.memory_space<semaphore_mem>>)
    %dma_wait3A_110 = arith.constant 160 : i32
    %dma_wait3A_111 = tpu.memref_slice %arg7[%dma_wait3A_110] : memref<256xi32, #tpu.memory_space<vmem>> -> memref<32xi32, #tpu.memory_space<vmem>>
    %dma_wait3A_112 = arith.constant 0 : i32
    %dma_wait3A_113 = arith.constant 0 : i32
    %dma_wait3A_114 = tpu.memref_slice %arg4[%dma_wait3A_112, %dma_wait3A_113] : memref<12288x512xf32, #tpu.memory_space<hbm>> -> memref<12288x512xf32, #tpu.memory_space<hbm>>
    tpu.wait_indirect_dma semaphore(%arg19 : memref<!tpu.dma_semaphore, #tpu.memory_space<semaphore_mem>>) src(%dma_wait3A_114 : memref<12288x512xf32, #tpu.memory_space<hbm>>) dst(%arg13 : memref<32x512xf32, #tpu.memory_space<vmem>>)
    %dma_start3A_115 = arith.constant 0 : i32
    %dma_start3A_116 = tpu.memref_slice %arg6[%add3A_14, %dma_start3A_115] : memref<4096x512xf32, #tpu.memory_space<hbm>> -> memref<32x512xf32, #tpu.memory_space<hbm>>
    %dma_start3A_117 = arith.constant 0 : i32
    %dma_start3A_118 = tpu.memref_slice %arg6[%add3A_14, %dma_start3A_117] : memref<4096x512xf32, #tpu.memory_space<hbm>> -> memref<32x512xf32, #tpu.memory_space<hbm>>
    tpu.enqueue_dma source(%arg13 : memref<32x512xf32, #tpu.memory_space<vmem>>) target(%dma_start3A_118 : memref<32x512xf32, #tpu.memory_space<hbm>>) target_semaphore(%arg25 : memref<!tpu.dma_semaphore, #tpu.memory_space<semaphore_mem>>)
    %dma_wait3A_119 = arith.constant 192 : i32
    %dma_wait3A_120 = tpu.memref_slice %arg7[%dma_wait3A_119] : memref<256xi32, #tpu.memory_space<vmem>> -> memref<32xi32, #tpu.memory_space<vmem>>
    %dma_wait3A_121 = arith.constant 0 : i32
    %dma_wait3A_122 = arith.constant 0 : i32
    %dma_wait3A_123 = tpu.memref_slice %arg4[%dma_wait3A_121, %dma_wait3A_122] : memref<12288x512xf32, #tpu.memory_space<hbm>> -> memref<12288x512xf32, #tpu.memory_space<hbm>>
    tpu.wait_indirect_dma semaphore(%arg14 : memref<!tpu.dma_semaphore, #tpu.memory_space<semaphore_mem>>) src(%dma_wait3A_123 : memref<12288x512xf32, #tpu.memory_space<hbm>>) dst(%arg8 : memref<32x512xf32, #tpu.memory_space<vmem>>)
    %dma_start3A_124 = arith.constant 0 : i32
    %dma_start3A_125 = tpu.memref_slice %arg6[%add3A_16, %dma_start3A_124] : memref<4096x512xf32, #tpu.memory_space<hbm>> -> memref<32x512xf32, #tpu.memory_space<hbm>>
    %dma_start3A_126 = arith.constant 0 : i32
    %dma_start3A_127 = tpu.memref_slice %arg6[%add3A_16, %dma_start3A_126] : memref<4096x512xf32, #tpu.memory_space<hbm>> -> memref<32x512xf32, #tpu.memory_space<hbm>>
    tpu.enqueue_dma source(%arg8 : memref<32x512xf32, #tpu.memory_space<vmem>>) target(%dma_start3A_127 : memref<32x512xf32, #tpu.memory_space<hbm>>) target_semaphore(%arg20 : memref<!tpu.dma_semaphore, #tpu.memory_space<semaphore_mem>>)
    %dma_wait3A_128 = arith.constant 224 : i32
    %dma_wait3A_129 = tpu.memref_slice %arg7[%dma_wait3A_128] : memref<256xi32, #tpu.memory_space<vmem>> -> memref<32xi32, #tpu.memory_space<vmem>>
    %dma_wait3A_130 = arith.constant 0 : i32
    %dma_wait3A_131 = arith.constant 0 : i32
    %dma_wait3A_132 = tpu.memref_slice %arg4[%dma_wait3A_130, %dma_wait3A_131] : memref<12288x512xf32, #tpu.memory_space<hbm>> -> memref<12288x512xf32, #tpu.memory_space<hbm>>
    tpu.wait_indirect_dma semaphore(%arg15 : memref<!tpu.dma_semaphore, #tpu.memory_space<semaphore_mem>>) src(%dma_wait3A_132 : memref<12288x512xf32, #tpu.memory_space<hbm>>) dst(%arg9 : memref<32x512xf32, #tpu.memory_space<vmem>>)
    %dma_start3A_133 = arith.constant 0 : i32
    %dma_start3A_134 = tpu.memref_slice %arg6[%add3A_18, %dma_start3A_133] : memref<4096x512xf32, #tpu.memory_space<hbm>> -> memref<32x512xf32, #tpu.memory_space<hbm>>
    %dma_start3A_135 = arith.constant 0 : i32
    %dma_start3A_136 = tpu.memref_slice %arg6[%add3A_18, %dma_start3A_135] : memref<4096x512xf32, #tpu.memory_space<hbm>> -> memref<32x512xf32, #tpu.memory_space<hbm>>
    tpu.enqueue_dma source(%arg9 : memref<32x512xf32, #tpu.memory_space<vmem>>) target(%dma_start3A_136 : memref<32x512xf32, #tpu.memory_space<hbm>>) target_semaphore(%arg21 : memref<!tpu.dma_semaphore, #tpu.memory_space<semaphore_mem>>)
    %dma_wait3A_137 = arith.constant 0 : i32
    %dma_wait3A_138 = tpu.memref_slice %arg5[%add3A_8, %dma_wait3A_137] : memref<4096x512xf32, #tpu.memory_space<hbm>> -> memref<32x512xf32, #tpu.memory_space<hbm>>
    %dma_wait3A_139 = arith.constant 0 : i32
    %dma_wait3A_140 = tpu.memref_slice %arg5[%add3A_8, %dma_wait3A_139] : memref<4096x512xf32, #tpu.memory_space<hbm>> -> memref<32x512xf32, #tpu.memory_space<hbm>>
    tpu.wait_dma2 semaphore(%arg22 : memref<!tpu.dma_semaphore, #tpu.memory_space<semaphore_mem>>) src(%arg10 : memref<32x512xf32, #tpu.memory_space<vmem>>) dst(%dma_wait3A_140 : memref<32x512xf32, #tpu.memory_space<hbm>>)
    %dma_wait3A_141 = arith.constant 0 : i32
    %dma_wait3A_142 = tpu.memref_slice %arg5[%add3A_10, %dma_wait3A_141] : memref<4096x512xf32, #tpu.memory_space<hbm>> -> memref<32x512xf32, #tpu.memory_space<hbm>>
    %dma_wait3A_143 = arith.constant 0 : i32
    %dma_wait3A_144 = tpu.memref_slice %arg5[%add3A_10, %dma_wait3A_143] : memref<4096x512xf32, #tpu.memory_space<hbm>> -> memref<32x512xf32, #tpu.memory_space<hbm>>
    tpu.wait_dma2 semaphore(%arg23 : memref<!tpu.dma_semaphore, #tpu.memory_space<semaphore_mem>>) src(%arg11 : memref<32x512xf32, #tpu.memory_space<vmem>>) dst(%dma_wait3A_144 : memref<32x512xf32, #tpu.memory_space<hbm>>)
    %dma_wait3A_145 = arith.constant 0 : i32
    %dma_wait3A_146 = tpu.memref_slice %arg6[%add3A_12, %dma_wait3A_145] : memref<4096x512xf32, #tpu.memory_space<hbm>> -> memref<32x512xf32, #tpu.memory_space<hbm>>
    %dma_wait3A_147 = arith.constant 0 : i32
    %dma_wait3A_148 = tpu.memref_slice %arg6[%add3A_12, %dma_wait3A_147] : memref<4096x512xf32, #tpu.memory_space<hbm>> -> memref<32x512xf32, #tpu.memory_space<hbm>>
    tpu.wait_dma2 semaphore(%arg24 : memref<!tpu.dma_semaphore, #tpu.memory_space<semaphore_mem>>) src(%arg12 : memref<32x512xf32, #tpu.memory_space<vmem>>) dst(%dma_wait3A_148 : memref<32x512xf32, #tpu.memory_space<hbm>>)
    %dma_wait3A_149 = arith.constant 0 : i32
    %dma_wait3A_150 = tpu.memref_slice %arg6[%add3A_14, %dma_wait3A_149] : memref<4096x512xf32, #tpu.memory_space<hbm>> -> memref<32x512xf32, #tpu.memory_space<hbm>>
    %dma_wait3A_151 = arith.constant 0 : i32
    %dma_wait3A_152 = tpu.memref_slice %arg6[%add3A_14, %dma_wait3A_151] : memref<4096x512xf32, #tpu.memory_space<hbm>> -> memref<32x512xf32, #tpu.memory_space<hbm>>
    tpu.wait_dma2 semaphore(%arg25 : memref<!tpu.dma_semaphore, #tpu.memory_space<semaphore_mem>>) src(%arg13 : memref<32x512xf32, #tpu.memory_space<vmem>>) dst(%dma_wait3A_152 : memref<32x512xf32, #tpu.memory_space<hbm>>)
    %dma_wait3A_153 = arith.constant 0 : i32
    %dma_wait3A_154 = tpu.memref_slice %arg6[%add3A_16, %dma_wait3A_153] : memref<4096x512xf32, #tpu.memory_space<hbm>> -> memref<32x512xf32, #tpu.memory_space<hbm>>
    %dma_wait3A_155 = arith.constant 0 : i32
    %dma_wait3A_156 = tpu.memref_slice %arg6[%add3A_16, %dma_wait3A_155] : memref<4096x512xf32, #tpu.memory_space<hbm>> -> memref<32x512xf32, #tpu.memory_space<hbm>>
    tpu.wait_dma2 semaphore(%arg20 : memref<!tpu.dma_semaphore, #tpu.memory_space<semaphore_mem>>) src(%arg8 : memref<32x512xf32, #tpu.memory_space<vmem>>) dst(%dma_wait3A_156 : memref<32x512xf32, #tpu.memory_space<hbm>>)
    %dma_wait3A_157 = arith.constant 0 : i32
    %dma_wait3A_158 = tpu.memref_slice %arg6[%add3A_18, %dma_wait3A_157] : memref<4096x512xf32, #tpu.memory_space<hbm>> -> memref<32x512xf32, #tpu.memory_space<hbm>>
    %dma_wait3A_159 = arith.constant 0 : i32
    %dma_wait3A_160 = tpu.memref_slice %arg6[%add3A_18, %dma_wait3A_159] : memref<4096x512xf32, #tpu.memory_space<hbm>> -> memref<32x512xf32, #tpu.memory_space<hbm>>
    tpu.wait_dma2 semaphore(%arg21 : memref<!tpu.dma_semaphore, #tpu.memory_space<semaphore_mem>>) src(%arg9 : memref<32x512xf32, #tpu.memory_space<vmem>>) dst(%dma_wait3A_160 : memref<32x512xf32, #tpu.memory_space<hbm>>)
    return
  }
}

#map = affine_map<(d0, d1) -> (0)>
#map1 = affine_map<(d0, d1) -> (0, 0)>
module attributes {stable_mosaic.version = 14 : i64} {
  func.func @k(%arg0: i32, %arg1: i32, %arg2: memref<4096xi32, #tpu.memory_space<hbm>>, %arg3: memref<4096xi32, #tpu.memory_space<hbm>>, %arg4: memref<4096x384xf32, #tpu.memory_space<hbm>>, %arg5: memref<12288x384xf32, #tpu.memory_space<hbm>>, %arg6: memref<256xi32, #tpu.memory_space<vmem>>, %arg7: memref<32x384xf32, #tpu.memory_space<vmem>>, %arg8: memref<32x384xf32, #tpu.memory_space<vmem>>, %arg9: memref<32x384xf32, #tpu.memory_space<vmem>>, %arg10: memref<32x384xf32, #tpu.memory_space<vmem>>, %arg11: memref<32x384xf32, #tpu.memory_space<vmem>>, %arg12: memref<32x384xf32, #tpu.memory_space<vmem>>, %arg13: memref<!tpu.dma_semaphore, #tpu.memory_space<semaphore_mem>>, %arg14: memref<!tpu.dma_semaphore, #tpu.memory_space<semaphore_mem>>, %arg15: memref<!tpu.dma_semaphore, #tpu.memory_space<semaphore_mem>>, %arg16: memref<!tpu.dma_semaphore, #tpu.memory_space<semaphore_mem>>, %arg17: memref<!tpu.dma_semaphore, #tpu.memory_space<semaphore_mem>>, %arg18: memref<!tpu.dma_semaphore, #tpu.memory_space<semaphore_mem>>, %arg19: memref<!tpu.dma_semaphore, #tpu.memory_space<semaphore_mem>>, %arg20: memref<!tpu.dma_semaphore, #tpu.memory_space<semaphore_mem>>, %arg21: memref<!tpu.dma_semaphore, #tpu.memory_space<semaphore_mem>>, %arg22: memref<!tpu.dma_semaphore, #tpu.memory_space<semaphore_mem>>, %arg23: memref<!tpu.dma_semaphore, #tpu.memory_space<semaphore_mem>>, %arg24: memref<!tpu.dma_semaphore, #tpu.memory_space<semaphore_mem>>) attributes {dimension_semantics = [#tpu.dimension_semantics<core_parallel>, #tpu.dimension_semantics<subcore_parallel>], iteration_bounds = array<i64: 2, 16>, scalar_prefetch = 0 : i64, scratch_operands = 19 : i64, tpu.core_type = #tpu.core_type<sc_vector_subcore>, window_params = [{transform_indices = #map}, {transform_indices = #map}, {transform_indices = #map1}, {transform_indices = #map1}]} {
    %mul3A = arith.constant 2 : i32
    %mul3A_0 = arith.muli %arg1, %mul3A : i32
    %add3A = arith.addi %mul3A_0, %arg0 : i32
    %mul3A_1 = arith.constant 128 : i32
    %mul3A_2 = arith.muli %add3A, %mul3A_1 : i32
    "tpu.region"() ({
      %run_scoped3A = tpu.sem_alloc : memref<!tpu.dma_semaphore, #tpu.memory_space<semaphore_mem>>
      %dma_start3A_121 = arith.constant 0 : i32
      %dma_start3A_122 = tpu.memref_slice %arg6[%dma_start3A_121] : memref<256xi32, #tpu.memory_space<vmem>> -> memref<128xi32, #tpu.memory_space<vmem>>
      %dma_start3A_123 = tpu.memref_slice %arg2[%mul3A_2] : memref<4096xi32, #tpu.memory_space<hbm>> -> memref<128xi32, #tpu.memory_space<hbm>>
      %dma_start3A_124 = arith.constant 0 : i32
      %dma_start3A_125 = tpu.memref_slice %arg6[%dma_start3A_124] : memref<256xi32, #tpu.memory_space<vmem>> -> memref<128xi32, #tpu.memory_space<vmem>>
      %dma_start3A_126 = tpu.memref_slice %arg2[%mul3A_2] : memref<4096xi32, #tpu.memory_space<hbm>> -> memref<128xi32, #tpu.memory_space<hbm>>
      tpu.enqueue_dma source(%dma_start3A_126 : memref<128xi32, #tpu.memory_space<hbm>>) target(%dma_start3A_125 : memref<128xi32, #tpu.memory_space<vmem>>) target_semaphore(%run_scoped3A : memref<!tpu.dma_semaphore, #tpu.memory_space<semaphore_mem>>)
      %dma_wait3A_127 = arith.constant 0 : i32
      %dma_wait3A_128 = tpu.memref_slice %arg6[%dma_wait3A_127] : memref<256xi32, #tpu.memory_space<vmem>> -> memref<128xi32, #tpu.memory_space<vmem>>
      %dma_wait3A_129 = tpu.memref_slice %arg2[%mul3A_2] : memref<4096xi32, #tpu.memory_space<hbm>> -> memref<128xi32, #tpu.memory_space<hbm>>
      %dma_wait3A_130 = arith.constant 0 : i32
      %dma_wait3A_131 = tpu.memref_slice %arg6[%dma_wait3A_130] : memref<256xi32, #tpu.memory_space<vmem>> -> memref<128xi32, #tpu.memory_space<vmem>>
      %dma_wait3A_132 = tpu.memref_slice %arg2[%mul3A_2] : memref<4096xi32, #tpu.memory_space<hbm>> -> memref<128xi32, #tpu.memory_space<hbm>>
      tpu.wait_dma2 semaphore(%run_scoped3A : memref<!tpu.dma_semaphore, #tpu.memory_space<semaphore_mem>>) src(%dma_wait3A_132 : memref<128xi32, #tpu.memory_space<hbm>>) dst(%dma_wait3A_131 : memref<128xi32, #tpu.memory_space<vmem>>)
      tpu.yield
    }) : () -> ()
    "tpu.region"() ({
      %run_scoped3A = tpu.sem_alloc : memref<!tpu.dma_semaphore, #tpu.memory_space<semaphore_mem>>
      %dma_start3A_121 = arith.constant 128 : i32
      %dma_start3A_122 = tpu.memref_slice %arg6[%dma_start3A_121] : memref<256xi32, #tpu.memory_space<vmem>> -> memref<128xi32, #tpu.memory_space<vmem>>
      %dma_start3A_123 = tpu.memref_slice %arg3[%mul3A_2] : memref<4096xi32, #tpu.memory_space<hbm>> -> memref<128xi32, #tpu.memory_space<hbm>>
      %dma_start3A_124 = arith.constant 128 : i32
      %dma_start3A_125 = tpu.memref_slice %arg6[%dma_start3A_124] : memref<256xi32, #tpu.memory_space<vmem>> -> memref<128xi32, #tpu.memory_space<vmem>>
      %dma_start3A_126 = tpu.memref_slice %arg3[%mul3A_2] : memref<4096xi32, #tpu.memory_space<hbm>> -> memref<128xi32, #tpu.memory_space<hbm>>
      tpu.enqueue_dma source(%dma_start3A_126 : memref<128xi32, #tpu.memory_space<hbm>>) target(%dma_start3A_125 : memref<128xi32, #tpu.memory_space<vmem>>) target_semaphore(%run_scoped3A : memref<!tpu.dma_semaphore, #tpu.memory_space<semaphore_mem>>)
      %dma_wait3A_127 = arith.constant 128 : i32
      %dma_wait3A_128 = tpu.memref_slice %arg6[%dma_wait3A_127] : memref<256xi32, #tpu.memory_space<vmem>> -> memref<128xi32, #tpu.memory_space<vmem>>
      %dma_wait3A_129 = tpu.memref_slice %arg3[%mul3A_2] : memref<4096xi32, #tpu.memory_space<hbm>> -> memref<128xi32, #tpu.memory_space<hbm>>
      %dma_wait3A_130 = arith.constant 128 : i32
      %dma_wait3A_131 = tpu.memref_slice %arg6[%dma_wait3A_130] : memref<256xi32, #tpu.memory_space<vmem>> -> memref<128xi32, #tpu.memory_space<vmem>>
      %dma_wait3A_132 = tpu.memref_slice %arg3[%mul3A_2] : memref<4096xi32, #tpu.memory_space<hbm>> -> memref<128xi32, #tpu.memory_space<hbm>>
      tpu.wait_dma2 semaphore(%run_scoped3A : memref<!tpu.dma_semaphore, #tpu.memory_space<semaphore_mem>>) src(%dma_wait3A_132 : memref<128xi32, #tpu.memory_space<hbm>>) dst(%dma_wait3A_131 : memref<128xi32, #tpu.memory_space<vmem>>)
      tpu.yield
    }) : () -> ()
    %add3A_3 = arith.constant 0 : i32
    %add3A_4 = arith.addi %mul3A_2, %add3A_3 : i32
    %dma_start3A = arith.constant 0 : i32
    %dma_start3A_5 = tpu.memref_slice %arg4[%add3A_4, %dma_start3A] : memref<4096x384xf32, #tpu.memory_space<hbm>> -> memref<32x384xf32, #tpu.memory_space<hbm>>
    %dma_start3A_6 = arith.constant 0 : i32
    %dma_start3A_7 = tpu.memref_slice %arg4[%add3A_4, %dma_start3A_6] : memref<4096x384xf32, #tpu.memory_space<hbm>> -> memref<32x384xf32, #tpu.memory_space<hbm>>
    tpu.enqueue_dma source(%dma_start3A_7 : memref<32x384xf32, #tpu.memory_space<hbm>>) target(%arg7 : memref<32x384xf32, #tpu.memory_space<vmem>>) target_semaphore(%arg13 : memref<!tpu.dma_semaphore, #tpu.memory_space<semaphore_mem>>)
    %add3A_8 = arith.constant 32 : i32
    %add3A_9 = arith.addi %mul3A_2, %add3A_8 : i32
    %dma_start3A_10 = arith.constant 0 : i32
    %dma_start3A_11 = tpu.memref_slice %arg4[%add3A_9, %dma_start3A_10] : memref<4096x384xf32, #tpu.memory_space<hbm>> -> memref<32x384xf32, #tpu.memory_space<hbm>>
    %dma_start3A_12 = arith.constant 0 : i32
    %dma_start3A_13 = tpu.memref_slice %arg4[%add3A_9, %dma_start3A_12] : memref<4096x384xf32, #tpu.memory_space<hbm>> -> memref<32x384xf32, #tpu.memory_space<hbm>>
    tpu.enqueue_dma source(%dma_start3A_13 : memref<32x384xf32, #tpu.memory_space<hbm>>) target(%arg8 : memref<32x384xf32, #tpu.memory_space<vmem>>) target_semaphore(%arg14 : memref<!tpu.dma_semaphore, #tpu.memory_space<semaphore_mem>>)
    %add3A_14 = arith.constant 64 : i32
    %add3A_15 = arith.addi %mul3A_2, %add3A_14 : i32
    %dma_start3A_16 = arith.constant 0 : i32
    %dma_start3A_17 = tpu.memref_slice %arg4[%add3A_15, %dma_start3A_16] : memref<4096x384xf32, #tpu.memory_space<hbm>> -> memref<32x384xf32, #tpu.memory_space<hbm>>
    %dma_start3A_18 = arith.constant 0 : i32
    %dma_start3A_19 = tpu.memref_slice %arg4[%add3A_15, %dma_start3A_18] : memref<4096x384xf32, #tpu.memory_space<hbm>> -> memref<32x384xf32, #tpu.memory_space<hbm>>
    tpu.enqueue_dma source(%dma_start3A_19 : memref<32x384xf32, #tpu.memory_space<hbm>>) target(%arg9 : memref<32x384xf32, #tpu.memory_space<vmem>>) target_semaphore(%arg15 : memref<!tpu.dma_semaphore, #tpu.memory_space<semaphore_mem>>)
    %add3A_20 = arith.constant 96 : i32
    %add3A_21 = arith.addi %mul3A_2, %add3A_20 : i32
    %dma_start3A_22 = arith.constant 0 : i32
    %dma_start3A_23 = tpu.memref_slice %arg4[%add3A_21, %dma_start3A_22] : memref<4096x384xf32, #tpu.memory_space<hbm>> -> memref<32x384xf32, #tpu.memory_space<hbm>>
    %dma_start3A_24 = arith.constant 0 : i32
    %dma_start3A_25 = tpu.memref_slice %arg4[%add3A_21, %dma_start3A_24] : memref<4096x384xf32, #tpu.memory_space<hbm>> -> memref<32x384xf32, #tpu.memory_space<hbm>>
    tpu.enqueue_dma source(%dma_start3A_25 : memref<32x384xf32, #tpu.memory_space<hbm>>) target(%arg10 : memref<32x384xf32, #tpu.memory_space<vmem>>) target_semaphore(%arg16 : memref<!tpu.dma_semaphore, #tpu.memory_space<semaphore_mem>>)
    %dma_wait3A = arith.constant 0 : i32
    %dma_wait3A_26 = tpu.memref_slice %arg4[%add3A_4, %dma_wait3A] : memref<4096x384xf32, #tpu.memory_space<hbm>> -> memref<32x384xf32, #tpu.memory_space<hbm>>
    %dma_wait3A_27 = arith.constant 0 : i32
    %dma_wait3A_28 = tpu.memref_slice %arg4[%add3A_4, %dma_wait3A_27] : memref<4096x384xf32, #tpu.memory_space<hbm>> -> memref<32x384xf32, #tpu.memory_space<hbm>>
    tpu.wait_dma2 semaphore(%arg13 : memref<!tpu.dma_semaphore, #tpu.memory_space<semaphore_mem>>) src(%dma_wait3A_28 : memref<32x384xf32, #tpu.memory_space<hbm>>) dst(%arg7 : memref<32x384xf32, #tpu.memory_space<vmem>>)
    %dma_start3A_29 = arith.constant 0 : i32
    %dma_start3A_30 = tpu.memref_slice %arg6[%dma_start3A_29] : memref<256xi32, #tpu.memory_space<vmem>> -> memref<32xi32, #tpu.memory_space<vmem>>
    %dma_start3A_31 = arith.constant 0 : i32
    %dma_start3A_32 = arith.constant 0 : i32
    %dma_start3A_33 = tpu.memref_slice %arg5[%dma_start3A_31, %dma_start3A_32] : memref<12288x384xf32, #tpu.memory_space<hbm>> -> memref<12288x384xf32, #tpu.memory_space<hbm>>
    tpu.enqueue_indirect_dma source(%arg7 : memref<32x384xf32, #tpu.memory_space<vmem>>) target(%dma_start3A_33 : memref<12288x384xf32, #tpu.memory_space<hbm>>) offsets(%dma_start3A_30 : memref<32xi32, #tpu.memory_space<vmem>>) semaphore(%arg19 : memref<!tpu.dma_semaphore, #tpu.memory_space<semaphore_mem>>)
    %dma_start3A_34 = arith.constant 128 : i32
    %dma_start3A_35 = tpu.memref_slice %arg6[%dma_start3A_34] : memref<256xi32, #tpu.memory_space<vmem>> -> memref<32xi32, #tpu.memory_space<vmem>>
    %dma_start3A_36 = arith.constant 0 : i32
    %dma_start3A_37 = arith.constant 0 : i32
    %dma_start3A_38 = tpu.memref_slice %arg5[%dma_start3A_36, %dma_start3A_37] : memref<12288x384xf32, #tpu.memory_space<hbm>> -> memref<12288x384xf32, #tpu.memory_space<hbm>>
    tpu.enqueue_indirect_dma source(%arg7 : memref<32x384xf32, #tpu.memory_space<vmem>>) target(%dma_start3A_38 : memref<12288x384xf32, #tpu.memory_space<hbm>>) offsets(%dma_start3A_35 : memref<32xi32, #tpu.memory_space<vmem>>) semaphore(%arg20 : memref<!tpu.dma_semaphore, #tpu.memory_space<semaphore_mem>>)
    %dma_wait3A_39 = arith.constant 0 : i32
    %dma_wait3A_40 = tpu.memref_slice %arg4[%add3A_9, %dma_wait3A_39] : memref<4096x384xf32, #tpu.memory_space<hbm>> -> memref<32x384xf32, #tpu.memory_space<hbm>>
    %dma_wait3A_41 = arith.constant 0 : i32
    %dma_wait3A_42 = tpu.memref_slice %arg4[%add3A_9, %dma_wait3A_41] : memref<4096x384xf32, #tpu.memory_space<hbm>> -> memref<32x384xf32, #tpu.memory_space<hbm>>
    tpu.wait_dma2 semaphore(%arg14 : memref<!tpu.dma_semaphore, #tpu.memory_space<semaphore_mem>>) src(%dma_wait3A_42 : memref<32x384xf32, #tpu.memory_space<hbm>>) dst(%arg8 : memref<32x384xf32, #tpu.memory_space<vmem>>)
    %dma_start3A_43 = arith.constant 32 : i32
    %dma_start3A_44 = tpu.memref_slice %arg6[%dma_start3A_43] : memref<256xi32, #tpu.memory_space<vmem>> -> memref<32xi32, #tpu.memory_space<vmem>>
    %dma_start3A_45 = arith.constant 0 : i32
    %dma_start3A_46 = arith.constant 0 : i32
    %dma_start3A_47 = tpu.memref_slice %arg5[%dma_start3A_45, %dma_start3A_46] : memref<12288x384xf32, #tpu.memory_space<hbm>> -> memref<12288x384xf32, #tpu.memory_space<hbm>>
    tpu.enqueue_indirect_dma source(%arg8 : memref<32x384xf32, #tpu.memory_space<vmem>>) target(%dma_start3A_47 : memref<12288x384xf32, #tpu.memory_space<hbm>>) offsets(%dma_start3A_44 : memref<32xi32, #tpu.memory_space<vmem>>) semaphore(%arg21 : memref<!tpu.dma_semaphore, #tpu.memory_space<semaphore_mem>>)
    %dma_start3A_48 = arith.constant 160 : i32
    %dma_start3A_49 = tpu.memref_slice %arg6[%dma_start3A_48] : memref<256xi32, #tpu.memory_space<vmem>> -> memref<32xi32, #tpu.memory_space<vmem>>
    %dma_start3A_50 = arith.constant 0 : i32
    %dma_start3A_51 = arith.constant 0 : i32
    %dma_start3A_52 = tpu.memref_slice %arg5[%dma_start3A_50, %dma_start3A_51] : memref<12288x384xf32, #tpu.memory_space<hbm>> -> memref<12288x384xf32, #tpu.memory_space<hbm>>
    tpu.enqueue_indirect_dma source(%arg8 : memref<32x384xf32, #tpu.memory_space<vmem>>) target(%dma_start3A_52 : memref<12288x384xf32, #tpu.memory_space<hbm>>) offsets(%dma_start3A_49 : memref<32xi32, #tpu.memory_space<vmem>>) semaphore(%arg22 : memref<!tpu.dma_semaphore, #tpu.memory_space<semaphore_mem>>)
    %dma_wait3A_53 = arith.constant 0 : i32
    %dma_wait3A_54 = tpu.memref_slice %arg4[%add3A_15, %dma_wait3A_53] : memref<4096x384xf32, #tpu.memory_space<hbm>> -> memref<32x384xf32, #tpu.memory_space<hbm>>
    %dma_wait3A_55 = arith.constant 0 : i32
    %dma_wait3A_56 = tpu.memref_slice %arg4[%add3A_15, %dma_wait3A_55] : memref<4096x384xf32, #tpu.memory_space<hbm>> -> memref<32x384xf32, #tpu.memory_space<hbm>>
    tpu.wait_dma2 semaphore(%arg15 : memref<!tpu.dma_semaphore, #tpu.memory_space<semaphore_mem>>) src(%dma_wait3A_56 : memref<32x384xf32, #tpu.memory_space<hbm>>) dst(%arg9 : memref<32x384xf32, #tpu.memory_space<vmem>>)
    %dma_start3A_57 = arith.constant 64 : i32
    %dma_start3A_58 = tpu.memref_slice %arg6[%dma_start3A_57] : memref<256xi32, #tpu.memory_space<vmem>> -> memref<32xi32, #tpu.memory_space<vmem>>
    %dma_start3A_59 = arith.constant 0 : i32
    %dma_start3A_60 = arith.constant 0 : i32
    %dma_start3A_61 = tpu.memref_slice %arg5[%dma_start3A_59, %dma_start3A_60] : memref<12288x384xf32, #tpu.memory_space<hbm>> -> memref<12288x384xf32, #tpu.memory_space<hbm>>
    tpu.enqueue_indirect_dma source(%arg9 : memref<32x384xf32, #tpu.memory_space<vmem>>) target(%dma_start3A_61 : memref<12288x384xf32, #tpu.memory_space<hbm>>) offsets(%dma_start3A_58 : memref<32xi32, #tpu.memory_space<vmem>>) semaphore(%arg23 : memref<!tpu.dma_semaphore, #tpu.memory_space<semaphore_mem>>)
    %dma_start3A_62 = arith.constant 192 : i32
    %dma_start3A_63 = tpu.memref_slice %arg6[%dma_start3A_62] : memref<256xi32, #tpu.memory_space<vmem>> -> memref<32xi32, #tpu.memory_space<vmem>>
    %dma_start3A_64 = arith.constant 0 : i32
    %dma_start3A_65 = arith.constant 0 : i32
    %dma_start3A_66 = tpu.memref_slice %arg5[%dma_start3A_64, %dma_start3A_65] : memref<12288x384xf32, #tpu.memory_space<hbm>> -> memref<12288x384xf32, #tpu.memory_space<hbm>>
    tpu.enqueue_indirect_dma source(%arg9 : memref<32x384xf32, #tpu.memory_space<vmem>>) target(%dma_start3A_66 : memref<12288x384xf32, #tpu.memory_space<hbm>>) offsets(%dma_start3A_63 : memref<32xi32, #tpu.memory_space<vmem>>) semaphore(%arg24 : memref<!tpu.dma_semaphore, #tpu.memory_space<semaphore_mem>>)
    %dma_wait3A_67 = arith.constant 0 : i32
    %dma_wait3A_68 = tpu.memref_slice %arg4[%add3A_21, %dma_wait3A_67] : memref<4096x384xf32, #tpu.memory_space<hbm>> -> memref<32x384xf32, #tpu.memory_space<hbm>>
    %dma_wait3A_69 = arith.constant 0 : i32
    %dma_wait3A_70 = tpu.memref_slice %arg4[%add3A_21, %dma_wait3A_69] : memref<4096x384xf32, #tpu.memory_space<hbm>> -> memref<32x384xf32, #tpu.memory_space<hbm>>
    tpu.wait_dma2 semaphore(%arg16 : memref<!tpu.dma_semaphore, #tpu.memory_space<semaphore_mem>>) src(%dma_wait3A_70 : memref<32x384xf32, #tpu.memory_space<hbm>>) dst(%arg10 : memref<32x384xf32, #tpu.memory_space<vmem>>)
    %dma_wait3A_71 = arith.constant 0 : i32
    %dma_wait3A_72 = tpu.memref_slice %arg6[%dma_wait3A_71] : memref<256xi32, #tpu.memory_space<vmem>> -> memref<32xi32, #tpu.memory_space<vmem>>
    %dma_wait3A_73 = arith.constant 0 : i32
    %dma_wait3A_74 = arith.constant 0 : i32
    %dma_wait3A_75 = tpu.memref_slice %arg5[%dma_wait3A_73, %dma_wait3A_74] : memref<12288x384xf32, #tpu.memory_space<hbm>> -> memref<12288x384xf32, #tpu.memory_space<hbm>>
    tpu.wait_indirect_dma semaphore(%arg19 : memref<!tpu.dma_semaphore, #tpu.memory_space<semaphore_mem>>) src(%arg7 : memref<32x384xf32, #tpu.memory_space<vmem>>) dst(%dma_wait3A_75 : memref<12288x384xf32, #tpu.memory_space<hbm>>)
    %dma_start3A_76 = arith.constant 96 : i32
    %dma_start3A_77 = tpu.memref_slice %arg6[%dma_start3A_76] : memref<256xi32, #tpu.memory_space<vmem>> -> memref<32xi32, #tpu.memory_space<vmem>>
    %dma_start3A_78 = arith.constant 0 : i32
    %dma_start3A_79 = arith.constant 0 : i32
    %dma_start3A_80 = tpu.memref_slice %arg5[%dma_start3A_78, %dma_start3A_79] : memref<12288x384xf32, #tpu.memory_space<hbm>> -> memref<12288x384xf32, #tpu.memory_space<hbm>>
    tpu.enqueue_indirect_dma source(%arg10 : memref<32x384xf32, #tpu.memory_space<vmem>>) target(%dma_start3A_80 : memref<12288x384xf32, #tpu.memory_space<hbm>>) offsets(%dma_start3A_77 : memref<32xi32, #tpu.memory_space<vmem>>) semaphore(%arg19 : memref<!tpu.dma_semaphore, #tpu.memory_space<semaphore_mem>>)
    %dma_wait3A_81 = arith.constant 128 : i32
    %dma_wait3A_82 = tpu.memref_slice %arg6[%dma_wait3A_81] : memref<256xi32, #tpu.memory_space<vmem>> -> memref<32xi32, #tpu.memory_space<vmem>>
    %dma_wait3A_83 = arith.constant 0 : i32
    %dma_wait3A_84 = arith.constant 0 : i32
    %dma_wait3A_85 = tpu.memref_slice %arg5[%dma_wait3A_83, %dma_wait3A_84] : memref<12288x384xf32, #tpu.memory_space<hbm>> -> memref<12288x384xf32, #tpu.memory_space<hbm>>
    tpu.wait_indirect_dma semaphore(%arg20 : memref<!tpu.dma_semaphore, #tpu.memory_space<semaphore_mem>>) src(%arg7 : memref<32x384xf32, #tpu.memory_space<vmem>>) dst(%dma_wait3A_85 : memref<12288x384xf32, #tpu.memory_space<hbm>>)
    %dma_start3A_86 = arith.constant 224 : i32
    %dma_start3A_87 = tpu.memref_slice %arg6[%dma_start3A_86] : memref<256xi32, #tpu.memory_space<vmem>> -> memref<32xi32, #tpu.memory_space<vmem>>
    %dma_start3A_88 = arith.constant 0 : i32
    %dma_start3A_89 = arith.constant 0 : i32
    %dma_start3A_90 = tpu.memref_slice %arg5[%dma_start3A_88, %dma_start3A_89] : memref<12288x384xf32, #tpu.memory_space<hbm>> -> memref<12288x384xf32, #tpu.memory_space<hbm>>
    tpu.enqueue_indirect_dma source(%arg10 : memref<32x384xf32, #tpu.memory_space<vmem>>) target(%dma_start3A_90 : memref<12288x384xf32, #tpu.memory_space<hbm>>) offsets(%dma_start3A_87 : memref<32xi32, #tpu.memory_space<vmem>>) semaphore(%arg20 : memref<!tpu.dma_semaphore, #tpu.memory_space<semaphore_mem>>)
    %dma_wait3A_91 = arith.constant 96 : i32
    %dma_wait3A_92 = tpu.memref_slice %arg6[%dma_wait3A_91] : memref<256xi32, #tpu.memory_space<vmem>> -> memref<32xi32, #tpu.memory_space<vmem>>
    %dma_wait3A_93 = arith.constant 0 : i32
    %dma_wait3A_94 = arith.constant 0 : i32
    %dma_wait3A_95 = tpu.memref_slice %arg5[%dma_wait3A_93, %dma_wait3A_94] : memref<12288x384xf32, #tpu.memory_space<hbm>> -> memref<12288x384xf32, #tpu.memory_space<hbm>>
    tpu.wait_indirect_dma semaphore(%arg19 : memref<!tpu.dma_semaphore, #tpu.memory_space<semaphore_mem>>) src(%arg10 : memref<32x384xf32, #tpu.memory_space<vmem>>) dst(%dma_wait3A_95 : memref<12288x384xf32, #tpu.memory_space<hbm>>)
    %dma_wait3A_96 = arith.constant 224 : i32
    %dma_wait3A_97 = tpu.memref_slice %arg6[%dma_wait3A_96] : memref<256xi32, #tpu.memory_space<vmem>> -> memref<32xi32, #tpu.memory_space<vmem>>
    %dma_wait3A_98 = arith.constant 0 : i32
    %dma_wait3A_99 = arith.constant 0 : i32
    %dma_wait3A_100 = tpu.memref_slice %arg5[%dma_wait3A_98, %dma_wait3A_99] : memref<12288x384xf32, #tpu.memory_space<hbm>> -> memref<12288x384xf32, #tpu.memory_space<hbm>>
    tpu.wait_indirect_dma semaphore(%arg20 : memref<!tpu.dma_semaphore, #tpu.memory_space<semaphore_mem>>) src(%arg10 : memref<32x384xf32, #tpu.memory_space<vmem>>) dst(%dma_wait3A_100 : memref<12288x384xf32, #tpu.memory_space<hbm>>)
    %dma_wait3A_101 = arith.constant 32 : i32
    %dma_wait3A_102 = tpu.memref_slice %arg6[%dma_wait3A_101] : memref<256xi32, #tpu.memory_space<vmem>> -> memref<32xi32, #tpu.memory_space<vmem>>
    %dma_wait3A_103 = arith.constant 0 : i32
    %dma_wait3A_104 = arith.constant 0 : i32
    %dma_wait3A_105 = tpu.memref_slice %arg5[%dma_wait3A_103, %dma_wait3A_104] : memref<12288x384xf32, #tpu.memory_space<hbm>> -> memref<12288x384xf32, #tpu.memory_space<hbm>>
    tpu.wait_indirect_dma semaphore(%arg21 : memref<!tpu.dma_semaphore, #tpu.memory_space<semaphore_mem>>) src(%arg8 : memref<32x384xf32, #tpu.memory_space<vmem>>) dst(%dma_wait3A_105 : memref<12288x384xf32, #tpu.memory_space<hbm>>)
    %dma_wait3A_106 = arith.constant 160 : i32
    %dma_wait3A_107 = tpu.memref_slice %arg6[%dma_wait3A_106] : memref<256xi32, #tpu.memory_space<vmem>> -> memref<32xi32, #tpu.memory_space<vmem>>
    %dma_wait3A_108 = arith.constant 0 : i32
    %dma_wait3A_109 = arith.constant 0 : i32
    %dma_wait3A_110 = tpu.memref_slice %arg5[%dma_wait3A_108, %dma_wait3A_109] : memref<12288x384xf32, #tpu.memory_space<hbm>> -> memref<12288x384xf32, #tpu.memory_space<hbm>>
    tpu.wait_indirect_dma semaphore(%arg22 : memref<!tpu.dma_semaphore, #tpu.memory_space<semaphore_mem>>) src(%arg8 : memref<32x384xf32, #tpu.memory_space<vmem>>) dst(%dma_wait3A_110 : memref<12288x384xf32, #tpu.memory_space<hbm>>)
    %dma_wait3A_111 = arith.constant 64 : i32
    %dma_wait3A_112 = tpu.memref_slice %arg6[%dma_wait3A_111] : memref<256xi32, #tpu.memory_space<vmem>> -> memref<32xi32, #tpu.memory_space<vmem>>
    %dma_wait3A_113 = arith.constant 0 : i32
    %dma_wait3A_114 = arith.constant 0 : i32
    %dma_wait3A_115 = tpu.memref_slice %arg5[%dma_wait3A_113, %dma_wait3A_114] : memref<12288x384xf32, #tpu.memory_space<hbm>> -> memref<12288x384xf32, #tpu.memory_space<hbm>>
    tpu.wait_indirect_dma semaphore(%arg23 : memref<!tpu.dma_semaphore, #tpu.memory_space<semaphore_mem>>) src(%arg9 : memref<32x384xf32, #tpu.memory_space<vmem>>) dst(%dma_wait3A_115 : memref<12288x384xf32, #tpu.memory_space<hbm>>)
    %dma_wait3A_116 = arith.constant 192 : i32
    %dma_wait3A_117 = tpu.memref_slice %arg6[%dma_wait3A_116] : memref<256xi32, #tpu.memory_space<vmem>> -> memref<32xi32, #tpu.memory_space<vmem>>
    %dma_wait3A_118 = arith.constant 0 : i32
    %dma_wait3A_119 = arith.constant 0 : i32
    %dma_wait3A_120 = tpu.memref_slice %arg5[%dma_wait3A_118, %dma_wait3A_119] : memref<12288x384xf32, #tpu.memory_space<hbm>> -> memref<12288x384xf32, #tpu.memory_space<hbm>>
    tpu.wait_indirect_dma semaphore(%arg24 : memref<!tpu.dma_semaphore, #tpu.memory_space<semaphore_mem>>) src(%arg9 : memref<32x384xf32, #tpu.memory_space<vmem>>) dst(%dma_wait3A_120 : memref<12288x384xf32, #tpu.memory_space<hbm>>)
    return
  }
}

module attributes {stable_mosaic.version = 14 : i64} {
  func.func @_router_body(%arg0: i32, %arg1: i32, %arg2: memref<1x768x512xf32, #tpu.memory_space<vmem>>, %arg3: memref<768x8xf32, #tpu.memory_space<vmem>>, %arg4: memref<1x2x512xi32, #tpu.memory_space<vmem>>, %arg5: memref<1x2x512xf32, #tpu.memory_space<vmem>>, %arg6: memref<1x512x384xf32, #tpu.memory_space<vmem>>, %arg7: memref<1x2x512xf32, #tpu.memory_space<vmem>>, %arg8: memref<1x8xf32, #tpu.memory_space<vmem>>, %arg9: memref<1x8xf32, #tpu.memory_space<vmem>>) attributes {dimension_semantics = [#tpu.dimension_semantics<arbitrary>, #tpu.dimension_semantics<arbitrary>], iteration_bounds = array<i64: 2, 4>, scalar_prefetch = 0 : i64, scratch_operands = 1 : i64, tpu.core_type = #tpu.core_type<tc>, window_params = [{transform_indices = @transform_0, window_bounds = array<i64: 1, 768, 512>}, {pipeline_mode = #tpu.pipeline_mode<synchronous>, transform_indices = @transform_1, window_bounds = array<i64: 768, 8>}, {transform_indices = @transform_2, window_bounds = array<i64: 1, 2, 512>}, {transform_indices = @transform_3, window_bounds = array<i64: 1, 2, 512>}, {transform_indices = @transform_4, window_bounds = array<i64: 1, 512, 384>}, {transform_indices = @transform_5, window_bounds = array<i64: 1, 2, 512>}, {pipeline_mode = #tpu.pipeline_mode<synchronous>, transform_indices = @transform_6, window_bounds = array<i64: 1, 8>}]} {
    %get3A = arith.constant 0 : index
    %get3A_0 = arith.constant 0 : index
    %get3A_1 = arith.constant 0 : index
    %get3A_2 = vector.load %arg2[%get3A, %get3A_0, %get3A_1] : memref<1x768x512xf32, #tpu.memory_space<vmem>>, vector<1x768x512xf32>
    %get3A_3 = vector.shape_cast %get3A_2 : vector<1x768x512xf32> to vector<768x512xf32>
    %get3A_4 = arith.constant 0 : index
    %get3A_5 = arith.constant 0 : index
    %get3A_6 = vector.load %arg3[%get3A_4, %get3A_5] : memref<768x8xf32, #tpu.memory_space<vmem>>, vector<768x8xf32>
    %dot_general3A = arith.constant dense<0.000000e+00> : vector<512x8xf32>
    %dot_general3A_7 = tpu.matmul %get3A_3, %get3A_6, %dot_general3A {dimension_numbers = #tpu.dot_dimension_numbers<[0], [0], [1], [1], [0, 1, 1, 1], [], []>, transpose_lhs_hint = false} : vector<768x512xf32>, vector<768x8xf32>, vector<512x8xf32> -> vector<512x8xf32>
    %reduce_max3A = arith.constant dense<0xFF800000> : vector<512xf32>
    %reduce_max3A_8 = vector.multi_reduction <maximumf>, %dot_general3A_7, %reduce_max3A [1] : vector<512x8xf32> to vector<512xf32>
    %broadcast_in_dim3A = vector.shape_cast %reduce_max3A_8 : vector<512xf32> to vector<512x1xf32>
    %sub3A = vector.broadcast %broadcast_in_dim3A : vector<512x1xf32> to vector<512x8xf32>
    %sub3A_9 = arith.subf %dot_general3A_7, %sub3A : vector<512x8xf32>
    %exp3A = math.exp %sub3A_9 : vector<512x8xf32>
    %reduce_sum3A = arith.constant dense<0.000000e+00> : vector<512xf32>
    %reduce_sum3A_10 = vector.multi_reduction <add>, %exp3A, %reduce_sum3A [1] : vector<512x8xf32> to vector<512xf32>
    %broadcast_in_dim3A_11 = vector.shape_cast %reduce_sum3A_10 : vector<512xf32> to vector<512x1xf32>
    %div3A = vector.broadcast %broadcast_in_dim3A_11 : vector<512x1xf32> to vector<512x8xf32>
    %div3A_12 = arith.divf %exp3A, %div3A : vector<512x8xf32>
    %iota3A = tpu.iota {dimensions = array<i32: 1>} : vector<512x8xi32>
    %reduce_max3A_13 = arith.constant dense<0xFF800000> : vector<512xf32>
    %reduce_max3A_14 = vector.multi_reduction <maximumf>, %div3A_12, %reduce_max3A_13 [1] : vector<512x8xf32> to vector<512xf32>
    %broadcast_in_dim3A_15 = vector.shape_cast %reduce_max3A_14 : vector<512xf32> to vector<512x1xf32>
    %eq3A = vector.broadcast %broadcast_in_dim3A_15 : vector<512x1xf32> to vector<512x8xf32>
    %eq3A_16 = arith.cmpf oeq, %div3A_12, %eq3A : vector<512x8xf32>
    %jit3A = arith.constant 8 : i32
    %broadcast_in_dim3A_17 = vector.broadcast %jit3A : i32 to vector<512x8xi32>
    %select_n3A = arith.select %eq3A_16, %iota3A, %broadcast_in_dim3A_17 : vector<512x8xi1>, vector<512x8xi32>
    %reduce_min3A = arith.constant dense<2147483647> : vector<512xi32>
    %reduce_min3A_18 = vector.multi_reduction <minsi>, %select_n3A, %reduce_min3A [1] : vector<512x8xi32> to vector<512xi32>
    %broadcast_in_dim3A_19 = vector.shape_cast %reduce_min3A_18 : vector<512xi32> to vector<512x1xi32>
    %eq3A_20 = vector.broadcast %broadcast_in_dim3A_19 : vector<512x1xi32> to vector<512x8xi32>
    %eq3A_21 = arith.cmpi eq, %iota3A, %eq3A_20 : vector<512x8xi32>
    %jit3A_22 = arith.constant -1.000000e+00 : f32
    %broadcast_in_dim3A_23 = vector.broadcast %jit3A_22 : f32 to vector<512x8xf32>
    %select_n3A_24 = arith.select %eq3A_21, %broadcast_in_dim3A_23, %div3A_12 : vector<512x8xi1>, vector<512x8xf32>
    %reduce_max3A_25 = arith.constant dense<0xFF800000> : vector<512xf32>
    %reduce_max3A_26 = vector.multi_reduction <maximumf>, %select_n3A_24, %reduce_max3A_25 [1] : vector<512x8xf32> to vector<512xf32>
    %broadcast_in_dim3A_27 = vector.shape_cast %reduce_max3A_26 : vector<512xf32> to vector<512x1xf32>
    %eq3A_28 = vector.broadcast %broadcast_in_dim3A_27 : vector<512x1xf32> to vector<512x8xf32>
    %eq3A_29 = arith.cmpf oeq, %select_n3A_24, %eq3A_28 : vector<512x8xf32>
    %jit3A_30 = arith.constant 8 : i32
    %broadcast_in_dim3A_31 = vector.broadcast %jit3A_30 : i32 to vector<512x8xi32>
    %select_n3A_32 = arith.select %eq3A_29, %iota3A, %broadcast_in_dim3A_31 : vector<512x8xi1>, vector<512x8xi32>
    %reduce_min3A_33 = arith.constant dense<2147483647> : vector<512xi32>
    %reduce_min3A_34 = vector.multi_reduction <minsi>, %select_n3A_32, %reduce_min3A_33 [1] : vector<512x8xi32> to vector<512xi32>
    %add3A = arith.addf %reduce_max3A_14, %reduce_max3A_26 : vector<512xf32>
    %stack3A = vector.shape_cast %reduce_min3A_18 : vector<512xi32> to vector<1x512xi32>
    %stack3A_35 = vector.shape_cast %reduce_min3A_34 : vector<512xi32> to vector<1x512xi32>
    %stack3A_36 = tpu.concatenate %stack3A, %stack3A_35 in 0 : vector<1x512xi32>, vector<1x512xi32> -> vector<2x512xi32>
    %swap3A = arith.constant 0 : index
    %swap3A_37 = arith.constant 0 : index
    %swap3A_38 = arith.constant 0 : index
    %swap3A_39 = vector.load %arg4[%swap3A, %swap3A_37, %swap3A_38] : memref<1x2x512xi32, #tpu.memory_space<vmem>>, vector<1x2x512xi32>
    %swap3A_40 = vector.shape_cast %swap3A_39 : vector<1x2x512xi32> to vector<2x512xi32>
    %swap3A_41 = vector.shape_cast %stack3A_36 : vector<2x512xi32> to vector<1x2x512xi32>
    tpu.vector_store %arg4[%swap3A, %swap3A_37, %swap3A_38], %swap3A_41 {strides = array<i32>} : memref<1x2x512xi32, #tpu.memory_space<vmem>>, vector<1x2x512xi32>,
    %div3A_42 = arith.divf %reduce_max3A_14, %add3A : vector<512xf32>
    %div3A_43 = arith.divf %reduce_max3A_26, %add3A : vector<512xf32>
    %stack3A_44 = vector.shape_cast %div3A_42 : vector<512xf32> to vector<1x512xf32>
    %stack3A_45 = vector.shape_cast %div3A_43 : vector<512xf32> to vector<1x512xf32>
    %stack3A_46 = tpu.concatenate %stack3A_44, %stack3A_45 in 0 : vector<1x512xf32>, vector<1x512xf32> -> vector<2x512xf32>
    %swap3A_47 = arith.constant 0 : index
    %swap3A_48 = arith.constant 0 : index
    %swap3A_49 = arith.constant 0 : index
    %swap3A_50 = vector.load %arg5[%swap3A_47, %swap3A_48, %swap3A_49] : memref<1x2x512xf32, #tpu.memory_space<vmem>>, vector<1x2x512xf32>
    %swap3A_51 = vector.shape_cast %swap3A_50 : vector<1x2x512xf32> to vector<2x512xf32>
    %swap3A_52 = vector.shape_cast %stack3A_46 : vector<2x512xf32> to vector<1x2x512xf32>
    tpu.vector_store %arg5[%swap3A_47, %swap3A_48, %swap3A_49], %swap3A_52 {strides = array<i32>} : memref<1x2x512xf32, #tpu.memory_space<vmem>>, vector<1x2x512xf32>,
    %convert_element_type3A = arith.truncf %get3A_3 : vector<768x512xf32> to vector<768x512xbf16>
    %bitcast3A = tpu.bitcast %convert_element_type3A : vector<768x512xbf16> -> vector<384x512xf32>
    %transpose3A = tpu.transpose %bitcast3A, [1, 0] : vector<384x512xf32> -> vector<512x384xf32>
    %swap3A_53 = arith.constant 0 : index
    %swap3A_54 = arith.constant 0 : index
    %swap3A_55 = arith.constant 0 : index
    %swap3A_56 = vector.load %arg6[%swap3A_53, %swap3A_54, %swap3A_55] : memref<1x512x384xf32, #tpu.memory_space<vmem>>, vector<1x512x384xf32>
    %swap3A_57 = vector.shape_cast %swap3A_56 : vector<1x512x384xf32> to vector<512x384xf32>
    %swap3A_58 = vector.shape_cast %transpose3A : vector<512x384xf32> to vector<1x512x384xf32>
    tpu.vector_store %arg6[%swap3A_53, %swap3A_54, %swap3A_55], %swap3A_58 {strides = array<i32>} : memref<1x512x384xf32, #tpu.memory_space<vmem>>, vector<1x512x384xf32>,
    %eq3A_59 = arith.constant 0 : i32
    %eq3A_60 = arith.cmpi eq, %arg0, %eq3A_59 : i32
    %eq3A_61 = arith.constant 0 : i32
    %eq3A_62 = arith.cmpi eq, %arg1, %eq3A_61 : i32
    %and3A = arith.andi %eq3A_60, %eq3A_62 : i1
    %convert_element_type3A_63 = arith.extui %and3A : i1 to i32
    %cond3A = arith.constant 0 : i32
    %cond3A_64 = arith.cmpi ne, %convert_element_type3A_63, %cond3A : i32
    scf.if %cond3A_64 {
      %broadcast_in_dim3A_129 = arith.constant 0.000000e+00 : f32
      %broadcast_in_dim3A_130 = vector.broadcast %broadcast_in_dim3A_129 : f32 to vector<1x8xf32>
      %swap3A_131 = arith.constant 0 : index
      %swap3A_132 = arith.constant 0 : index
      %swap3A_133 = vector.load %arg9[%swap3A_131, %swap3A_132] : memref<1x8xf32, #tpu.memory_space<vmem>>, vector<1x8xf32>
      tpu.vector_store %arg9[%swap3A_131, %swap3A_132], %broadcast_in_dim3A_130 {strides = array<i32>} : memref<1x8xf32, #tpu.memory_space<vmem>>, vector<1x8xf32>,
    } else {
    }
    %get3A_65 = arith.constant 0 : index
    %get3A_66 = arith.constant 0 : index
    %get3A_67 = vector.load %arg9[%get3A_65, %get3A_66] : memref<1x8xf32, #tpu.memory_space<vmem>>, vector<1x8xf32>
    %get3A_68 = vector.shape_cast %get3A_67 : vector<1x8xf32> to vector<8xf32>
    %iota3A_69 = tpu.iota {dimensions = array<i32: 0>} : vector<512x512xi32>
    %iota3A_70 = tpu.iota {dimensions = array<i32: 1>} : vector<512x512xi32>
    %gt3A = arith.cmpi sgt, %iota3A_69, %iota3A_70 : vector<512x512xi32>
    %convert_element_type3A_71 = arith.extui %gt3A : vector<512x512xi1> to vector<512x512xi32>
    %convert_element_type3A_72 = arith.sitofp %convert_element_type3A_71 : vector<512x512xi32> to vector<512x512xf32>
    %broadcast_in_dim3A_73 = vector.shape_cast %reduce_min3A_18 : vector<512xi32> to vector<512x1xi32>
    %eq3A_74 = vector.broadcast %broadcast_in_dim3A_73 : vector<512x1xi32> to vector<512x8xi32>
    %eq3A_75 = arith.cmpi eq, %iota3A, %eq3A_74 : vector<512x8xi32>
    %convert_element_type3A_76 = arith.extui %eq3A_75 : vector<512x8xi1> to vector<512x8xi32>
    %convert_element_type3A_77 = arith.sitofp %convert_element_type3A_76 : vector<512x8xi32> to vector<512x8xf32>
    %dot_general3A_78 = arith.constant dense<0.000000e+00> : vector<512x8xf32>
    %dot_general3A_79 = tpu.matmul %convert_element_type3A_72, %convert_element_type3A_77, %dot_general3A_78 {dimension_numbers = #tpu.dot_dimension_numbers<[1], [0], [0], [1], [0, 0, 1, 1], [], []>, transpose_lhs_hint = false} : vector<512x512xf32>, vector<512x8xf32>, vector<512x8xf32> -> vector<512x8xf32>
    %mul3A = arith.mulf %dot_general3A_79, %convert_element_type3A_77 : vector<512x8xf32>
    %reduce_sum3A_80 = arith.constant dense<0.000000e+00> : vector<512xf32>
    %reduce_sum3A_81 = vector.multi_reduction <add>, %mul3A, %reduce_sum3A_80 [1] : vector<512x8xf32> to vector<512xf32>
    %broadcast_in_dim3A_82 = vector.shape_cast %get3A_68 : vector<8xf32> to vector<1x8xf32>
    %mul3A_83 = vector.broadcast %broadcast_in_dim3A_82 : vector<1x8xf32> to vector<512x8xf32>
    %mul3A_84 = arith.mulf %convert_element_type3A_77, %mul3A_83 : vector<512x8xf32>
    %reduce_sum3A_85 = arith.constant dense<0.000000e+00> : vector<512xf32>
    %reduce_sum3A_86 = vector.multi_reduction <add>, %mul3A_84, %reduce_sum3A_85 [1] : vector<512x8xf32> to vector<512xf32>
    %add3A_87 = arith.addf %reduce_sum3A_81, %reduce_sum3A_86 : vector<512xf32>
    %reduce_sum3A_88 = arith.constant dense<0.000000e+00> : vector<8xf32>
    %reduce_sum3A_89 = vector.multi_reduction <add>, %convert_element_type3A_77, %reduce_sum3A_88 [0] : vector<512x8xf32> to vector<8xf32>
    %add3A_90 = arith.addf %get3A_68, %reduce_sum3A_89 : vector<8xf32>
    %broadcast_in_dim3A_91 = vector.shape_cast %reduce_min3A_34 : vector<512xi32> to vector<512x1xi32>
    %eq3A_92 = vector.broadcast %broadcast_in_dim3A_91 : vector<512x1xi32> to vector<512x8xi32>
    %eq3A_93 = arith.cmpi eq, %iota3A, %eq3A_92 : vector<512x8xi32>
    %convert_element_type3A_94 = arith.extui %eq3A_93 : vector<512x8xi1> to vector<512x8xi32>
    %convert_element_type3A_95 = arith.sitofp %convert_element_type3A_94 : vector<512x8xi32> to vector<512x8xf32>
    %dot_general3A_96 = arith.constant dense<0.000000e+00> : vector<512x8xf32>
    %dot_general3A_97 = tpu.matmul %convert_element_type3A_72, %convert_element_type3A_95, %dot_general3A_96 {dimension_numbers = #tpu.dot_dimension_numbers<[1], [0], [0], [1], [0, 0, 1, 1], [], []>, transpose_lhs_hint = false} : vector<512x512xf32>, vector<512x8xf32>, vector<512x8xf32> -> vector<512x8xf32>
    %mul3A_98 = arith.mulf %dot_general3A_97, %convert_element_type3A_95 : vector<512x8xf32>
    %reduce_sum3A_99 = arith.constant dense<0.000000e+00> : vector<512xf32>
    %reduce_sum3A_100 = vector.multi_reduction <add>, %mul3A_98, %reduce_sum3A_99 [1] : vector<512x8xf32> to vector<512xf32>
    %broadcast_in_dim3A_101 = vector.shape_cast %add3A_90 : vector<8xf32> to vector<1x8xf32>
    %mul3A_102 = vector.broadcast %broadcast_in_dim3A_101 : vector<1x8xf32> to vector<512x8xf32>
    %mul3A_103 = arith.mulf %convert_element_type3A_95, %mul3A_102 : vector<512x8xf32>
    %reduce_sum3A_104 = arith.constant dense<0.000000e+00> : vector<512xf32>
    %reduce_sum3A_105 = vector.multi_reduction <add>, %mul3A_103, %reduce_sum3A_104 [1] : vector<512x8xf32> to vector<512xf32>
    %add3A_106 = arith.addf %reduce_sum3A_100, %reduce_sum3A_105 : vector<512xf32>
    %reduce_sum3A_107 = arith.constant dense<0.000000e+00> : vector<8xf32>
    %reduce_sum3A_108 = vector.multi_reduction <add>, %convert_element_type3A_95, %reduce_sum3A_107 [0] : vector<512x8xf32> to vector<8xf32>
    %add3A_109 = arith.addf %add3A_90, %reduce_sum3A_108 : vector<8xf32>
    %broadcast_in_dim3A_110 = vector.shape_cast %add3A_109 : vector<8xf32> to vector<1x8xf32>
    %swap3A_111 = arith.constant 0 : index
    %swap3A_112 = arith.constant 0 : index
    %swap3A_113 = vector.load %arg9[%swap3A_111, %swap3A_112] : memref<1x8xf32, #tpu.memory_space<vmem>>, vector<1x8xf32>
    tpu.vector_store %arg9[%swap3A_111, %swap3A_112], %broadcast_in_dim3A_110 {strides = array<i32>} : memref<1x8xf32, #tpu.memory_space<vmem>>, vector<1x8xf32>,
    %stack3A_114 = vector.shape_cast %add3A_87 : vector<512xf32> to vector<1x512xf32>
    %stack3A_115 = vector.shape_cast %add3A_106 : vector<512xf32> to vector<1x512xf32>
    %stack3A_116 = tpu.concatenate %stack3A_114, %stack3A_115 in 0 : vector<1x512xf32>, vector<1x512xf32> -> vector<2x512xf32>
    %swap3A_117 = arith.constant 0 : index
    %swap3A_118 = arith.constant 0 : index
    %swap3A_119 = arith.constant 0 : index
    %swap3A_120 = vector.load %arg7[%swap3A_117, %swap3A_118, %swap3A_119] : memref<1x2x512xf32, #tpu.memory_space<vmem>>, vector<1x2x512xf32>
    %swap3A_121 = vector.shape_cast %swap3A_120 : vector<1x2x512xf32> to vector<2x512xf32>
    %swap3A_122 = vector.shape_cast %stack3A_116 : vector<2x512xf32> to vector<1x2x512xf32>
    tpu.vector_store %arg7[%swap3A_117, %swap3A_118, %swap3A_119], %swap3A_122 {strides = array<i32>} : memref<1x2x512xf32, #tpu.memory_space<vmem>>, vector<1x2x512xf32>,
    %get3A_123 = arith.constant 0 : index
    %get3A_124 = arith.constant 0 : index
    %get3A_125 = vector.load %arg9[%get3A_123, %get3A_124] : memref<1x8xf32, #tpu.memory_space<vmem>>, vector<1x8xf32>
    %swap3A_126 = arith.constant 0 : index
    %swap3A_127 = arith.constant 0 : index
    %swap3A_128 = vector.load %arg8[%swap3A_126, %swap3A_127] : memref<1x8xf32, #tpu.memory_space<vmem>>, vector<1x8xf32>
    tpu.vector_store %arg8[%swap3A_126, %swap3A_127], %get3A_125 {strides = array<i32>} : memref<1x8xf32, #tpu.memory_space<vmem>>, vector<1x8xf32>,
    return
  }
  func.func @transform_0(%arg0: i32, %arg1: i32) -> (i32, i32, i32) {
    %c0_i32 = arith.constant 0 : i32
    %c0_i32_0 = arith.constant 0 : i32
    return %arg0, %c0_i32, %arg1 : i32, i32, i32
  }
  func.func @transform_1(%arg0: i32, %arg1: i32) -> (i32, i32) {
    %c0_i32 = arith.constant 0 : i32
    %c0_i32_0 = arith.constant 0 : i32
    %c0_i32_1 = arith.constant 0 : i32
    return %c0_i32, %c0_i32_0 : i32, i32
  }
  func.func @transform_2(%arg0: i32, %arg1: i32) -> (i32, i32, i32) {
    %c0_i32 = arith.constant 0 : i32
    %c0_i32_0 = arith.constant 0 : i32
    return %arg0, %c0_i32, %arg1 : i32, i32, i32
  }
  func.func @transform_3(%arg0: i32, %arg1: i32) -> (i32, i32, i32) {
    %c0_i32 = arith.constant 0 : i32
    %c0_i32_0 = arith.constant 0 : i32
    return %arg0, %c0_i32, %arg1 : i32, i32, i32
  }
  func.func @transform_4(%arg0: i32, %arg1: i32) -> (i32, i32, i32) {
    %c0_i32 = arith.constant 0 : i32
    %c0_i32_0 = arith.constant 0 : i32
    return %arg0, %arg1, %c0_i32 : i32, i32, i32
  }
  func.func @transform_5(%arg0: i32, %arg1: i32) -> (i32, i32, i32) {
    %c0_i32 = arith.constant 0 : i32
    %c0_i32_0 = arith.constant 0 : i32
    return %arg0, %c0_i32, %arg1 : i32, i32, i32
  }
  func.func @transform_6(%arg0: i32, %arg1: i32) -> (i32, i32) {
    %c0_i32 = arith.constant 0 : i32
    %c0_i32_0 = arith.constant 0 : i32
    %c0_i32_1 = arith.constant 0 : i32
    return %c0_i32, %c0_i32_0 : i32, i32
  }
}

module attributes {stable_mosaic.version = 14 : i64} {
  func.func @_ep_body(%arg0: i32, %arg1: i32, %arg2: memref<1x1024xf32, #tpu.memory_space<vmem>>, %arg3: memref<1x2x512xf32, #tpu.memory_space<vmem>>, %arg4: memref<512x512xf32, #tpu.memory_space<vmem>>, %arg5: memref<512x512xf32, #tpu.memory_space<vmem>>, %arg6: memref<1x1024x512xf32, #tpu.memory_space<vmem>>) attributes {dimension_semantics = [#tpu.dimension_semantics<arbitrary>, #tpu.dimension_semantics<arbitrary>], iteration_bounds = array<i64: 2, 4>, scalar_prefetch = 0 : i64, scratch_operands = 0 : i64, tpu.core_type = #tpu.core_type<tc>, window_params = [{pipeline_mode = #tpu.pipeline_mode<synchronous>, transform_indices = @transform_0, window_bounds = array<i64: 1, 1024>}, {transform_indices = @transform_1, window_bounds = array<i64: 1, 2, 512>}, {transform_indices = @transform_2, window_bounds = array<i64: 512, 512>}, {transform_indices = @transform_3, window_bounds = array<i64: 512, 512>}, {transform_indices = @transform_4, window_bounds = array<i64: 1, 1024, 512>}]} {
    %get3A = arith.constant 0 : index
    %get3A_0 = arith.constant 0 : index
    %get3A_1 = vector.load %arg4[%get3A, %get3A_0] : memref<512x512xf32, #tpu.memory_space<vmem>>, vector<512x512xf32>
    %transpose3A = tpu.transpose %get3A_1, [1, 0] : vector<512x512xf32> -> vector<512x512xf32>
    %bitcast3A = tpu.bitcast %transpose3A : vector<512x512xf32> -> vector<1024x512xbf16>
    %get3A_2 = arith.constant 0 : index
    %get3A_3 = arith.constant 0 : index
    %get3A_4 = vector.load %arg5[%get3A_2, %get3A_3] : memref<512x512xf32, #tpu.memory_space<vmem>>, vector<512x512xf32>
    %transpose3A_5 = tpu.transpose %get3A_4, [1, 0] : vector<512x512xf32> -> vector<512x512xf32>
    %bitcast3A_6 = tpu.bitcast %transpose3A_5 : vector<512x512xf32> -> vector<1024x512xbf16>
    %get3A_7 = arith.constant 0 : index
    %get3A_8 = arith.constant 0 : index
    %get3A_9 = arith.constant 0 : index
    %get3A_10 = vector.load %arg3[%get3A_7, %get3A_8, %get3A_9] : memref<1x2x512xf32, #tpu.memory_space<vmem>>, vector<1x2x512xf32>
    %get3A_11 = vector.shape_cast %get3A_10 : vector<1x2x512xf32> to vector<2x512xf32>
    %get3A_12 = arith.constant 0 : index
    %get3A_13 = arith.constant 0 : index
    %get3A_14 = vector.load %arg2[%get3A_12, %get3A_13] : memref<1x1024xf32, #tpu.memory_space<vmem>>, vector<1x1024xf32>
    %get3A_15 = vector.shape_cast %get3A_14 : vector<1x1024xf32> to vector<1024xf32>
    %broadcast_in_dim3A = vector.shape_cast %get3A_15 : vector<1024xf32> to vector<1024x1xf32>
    %convert_element_type3A = arith.extf %bitcast3A : vector<1024x512xbf16> to vector<1024x512xf32>
    %slice3A = vector.extract_strided_slice %get3A_11 {offsets = [0, 0], sizes = [1, 512], strides = [1, 1]} : vector<2x512xf32> to vector<1x512xf32>
    %squeeze3A = vector.shape_cast %slice3A : vector<1x512xf32> to vector<512xf32>
    %broadcast_in_dim3A_16 = vector.shape_cast %squeeze3A : vector<512xf32> to vector<1x512xf32>
    %mul3A = vector.broadcast %broadcast_in_dim3A_16 : vector<1x512xf32> to vector<1024x512xf32>
    %mul3A_17 = arith.mulf %convert_element_type3A, %mul3A : vector<1024x512xf32>
    %convert_element_type3A_18 = arith.extf %bitcast3A_6 : vector<1024x512xbf16> to vector<1024x512xf32>
    %slice3A_19 = vector.extract_strided_slice %get3A_11 {offsets = [1, 0], sizes = [1, 512], strides = [1, 1]} : vector<2x512xf32> to vector<1x512xf32>
    %squeeze3A_20 = vector.shape_cast %slice3A_19 : vector<1x512xf32> to vector<512xf32>
    %broadcast_in_dim3A_21 = vector.shape_cast %squeeze3A_20 : vector<512xf32> to vector<1x512xf32>
    %mul3A_22 = vector.broadcast %broadcast_in_dim3A_21 : vector<1x512xf32> to vector<1024x512xf32>
    %mul3A_23 = arith.mulf %convert_element_type3A_18, %mul3A_22 : vector<1024x512xf32>
    %add3A = arith.addf %mul3A_17, %mul3A_23 : vector<1024x512xf32>
    %add3A_24 = vector.broadcast %broadcast_in_dim3A : vector<1024x1xf32> to vector<1024x512xf32>
    %add3A_25 = arith.addf %add3A_24, %add3A : vector<1024x512xf32>
    %swap3A = arith.constant 0 : index
    %swap3A_26 = arith.constant 0 : index
    %swap3A_27 = arith.constant 0 : index
    %swap3A_28 = vector.load %arg6[%swap3A, %swap3A_26, %swap3A_27] : memref<1x1024x512xf32, #tpu.memory_space<vmem>>, vector<1x1024x512xf32>
    %swap3A_29 = vector.shape_cast %swap3A_28 : vector<1x1024x512xf32> to vector<1024x512xf32>
    %swap3A_30 = vector.shape_cast %add3A_25 : vector<1024x512xf32> to vector<1x1024x512xf32>
    tpu.vector_store %arg6[%swap3A, %swap3A_26, %swap3A_27], %swap3A_30 {strides = array<i32>} : memref<1x1024x512xf32, #tpu.memory_space<vmem>>, vector<1x1024x512xf32>,
    return
  }
  func.func @transform_0(%arg0: i32, %arg1: i32) -> (i32, i32) {
    %c0_i32 = arith.constant 0 : i32
    %c0_i32_0 = arith.constant 0 : i32
    %c0_i32_1 = arith.constant 0 : i32
    return %c0_i32, %c0_i32_0 : i32, i32
  }
  func.func @transform_1(%arg0: i32, %arg1: i32) -> (i32, i32, i32) {
    %c0_i32 = arith.constant 0 : i32
    %c0_i32_0 = arith.constant 0 : i32
    return %arg0, %c0_i32, %arg1 : i32, i32, i32
  }
  func.func @transform_2(%arg0: i32, %arg1: i32) -> (i32, i32) {
    %mul3A = arith.constant 4 : i32
    %mul3A_0 = arith.muli %arg0, %mul3A : i32
    %add3A = arith.addi %mul3A_0, %arg1 : i32
    %c0_i32 = arith.constant 0 : i32
    %c0_i32_1 = arith.constant 0 : i32
    return %add3A, %c0_i32 : i32, i32
  }
  func.func @transform_3(%arg0: i32, %arg1: i32) -> (i32, i32) {
    %mul3A = arith.constant 4 : i32
    %mul3A_0 = arith.muli %arg0, %mul3A : i32
    %add3A = arith.addi %mul3A_0, %arg1 : i32
    %c0_i32 = arith.constant 0 : i32
    %c0_i32_1 = arith.constant 0 : i32
    return %add3A, %c0_i32 : i32, i32
  }
  func.func @transform_4(%arg0: i32, %arg1: i32) -> (i32, i32, i32) {
    %c0_i32 = arith.constant 0 : i32
    %c0_i32_0 = arith.constant 0 : i32
    return %arg0, %c0_i32, %arg1 : i32, i32, i32
  }
}

module attributes {stable_mosaic.version = 14 : i64} {
  func.func @_mm_body(%arg0: i32, %arg1: memref<24xi32, #tpu.memory_space<smem>>, %arg2: memref<512x384xf32, #tpu.memory_space<vmem>>, %arg3: memref<1x1024x768xf32, #tpu.memory_space<vmem>>, %arg4: memref<1024x768xf32, #tpu.memory_space<vmem>>, %arg5: memref<1x1x1024xf32, #tpu.memory_space<vmem>>, %arg6: memref<512x512xf32, #tpu.memory_space<vmem>>) attributes {dimension_semantics = [#tpu.dimension_semantics<arbitrary>], iteration_bounds = array<i64: 24>, scalar_prefetch = 1 : i64, scratch_operands = 0 : i64, tpu.core_type = #tpu.core_type<tc>, window_params = [{transform_indices = @transform_0, window_bounds = array<i64: 512, 384>}, {transform_indices = @transform_1, window_bounds = array<i64: 1, 1024, 768>}, {pipeline_mode = #tpu.pipeline_mode<synchronous>, transform_indices = @transform_2, window_bounds = array<i64: 1024, 768>}, {transform_indices = @transform_3, window_bounds = array<i64: 1, 1, 1024>}, {transform_indices = @transform_4, window_bounds = array<i64: 512, 512>}]} {
    %get3A = arith.constant 0 : index
    %get3A_0 = arith.constant 0 : index
    %get3A_1 = vector.load %arg2[%get3A, %get3A_0] : memref<512x384xf32, #tpu.memory_space<vmem>>, vector<512x384xf32>
    %transpose3A = tpu.transpose %get3A_1, [1, 0] : vector<512x384xf32> -> vector<384x512xf32>
    %bitcast3A = tpu.bitcast %transpose3A : vector<384x512xf32> -> vector<768x512xbf16>
    %get3A_2 = arith.constant 0 : index
    %get3A_3 = arith.constant 0 : index
    %get3A_4 = arith.constant 0 : index
    %get3A_5 = vector.load %arg3[%get3A_2, %get3A_3, %get3A_4] : memref<1x1024x768xf32, #tpu.memory_space<vmem>>, vector<1x1024x768xf32>
    %get3A_6 = vector.shape_cast %get3A_5 : vector<1x1024x768xf32> to vector<1024x768xf32>
    %get3A_7 = arith.constant 0 : index
    %get3A_8 = arith.constant 0 : index
    %get3A_9 = vector.load %arg4[%get3A_7, %get3A_8] : memref<1024x768xf32, #tpu.memory_space<vmem>>, vector<1024x768xf32>
    %add3A = arith.addf %get3A_6, %get3A_9 : vector<1024x768xf32>
    %convert_element_type3A = arith.truncf %add3A : vector<1024x768xf32> to vector<1024x768xbf16>
    %dot_general3A = arith.constant dense<0.000000e+00> : vector<1024x512xf32>
    %dot_general3A_10 = tpu.matmul %convert_element_type3A, %bitcast3A, %dot_general3A {dimension_numbers = #tpu.dot_dimension_numbers<[1], [0], [0], [1], [0, 0, 1, 1], [], []>, transpose_lhs_hint = false} : vector<1024x768xbf16>, vector<768x512xbf16>, vector<1024x512xf32> -> vector<1024x512xf32>
    %get3A_11 = arith.constant 0 : index
    %get3A_12 = arith.constant 0 : index
    %get3A_13 = arith.constant 0 : index
    %get3A_14 = vector.load %arg5[%get3A_11, %get3A_12, %get3A_13] : memref<1x1x1024xf32, #tpu.memory_space<vmem>>, vector<1x1x1024xf32>
    %get3A_15 = vector.shape_cast %get3A_14 : vector<1x1x1024xf32> to vector<1x1024xf32>
    %squeeze3A = vector.shape_cast %get3A_15 : vector<1x1024xf32> to vector<1024xf32>
    %broadcast_in_dim3A = vector.shape_cast %squeeze3A : vector<1024xf32> to vector<1024x1xf32>
    %add3A_16 = vector.broadcast %broadcast_in_dim3A : vector<1024x1xf32> to vector<1024x512xf32>
    %add3A_17 = arith.addf %dot_general3A_10, %add3A_16 : vector<1024x512xf32>
    %convert_element_type3A_18 = arith.truncf %add3A_17 : vector<1024x512xf32> to vector<1024x512xbf16>
    %bitcast3A_19 = tpu.bitcast %convert_element_type3A_18 : vector<1024x512xbf16> -> vector<512x512xf32>
    %transpose3A_20 = tpu.transpose %bitcast3A_19, [1, 0] : vector<512x512xf32> -> vector<512x512xf32>
    %swap3A = arith.constant 0 : index
    %swap3A_21 = arith.constant 0 : index
    %swap3A_22 = vector.load %arg6[%swap3A, %swap3A_21] : memref<512x512xf32, #tpu.memory_space<vmem>>, vector<512x512xf32>
    tpu.vector_store %arg6[%swap3A, %swap3A_21], %transpose3A_20 {strides = array<i32>} : memref<512x512xf32, #tpu.memory_space<vmem>>, vector<512x512xf32>,
    return
  }
  func.func @transform_0(%arg0: i32, %arg1: memref<24xi32, #tpu.memory_space<smem>>) -> (i32, i32) {
    %c0_i32 = arith.constant 0 : i32
    %c0_i32_0 = arith.constant 0 : i32
    return %arg0, %c0_i32 : i32, i32
  }
  func.func @transform_1(%arg0: i32, %arg1: memref<24xi32, #tpu.memory_space<smem>>) -> (i32, i32, i32) {
    %get3A = arith.index_cast %arg0 : i32 to index
    %get3A_0 = memref.load %arg1[%get3A] : memref<24xi32, #tpu.memory_space<smem>>
    %c0_i32 = arith.constant 0 : i32
    %c0_i32_1 = arith.constant 0 : i32
    %c0_i32_2 = arith.constant 0 : i32
    return %get3A_0, %c0_i32, %c0_i32_1 : i32, i32, i32
  }
  func.func @transform_2(%arg0: i32, %arg1: memref<24xi32, #tpu.memory_space<smem>>) -> (i32, i32) {
    %c0_i32 = arith.constant 0 : i32
    %c0_i32_0 = arith.constant 0 : i32
    %c0_i32_1 = arith.constant 0 : i32
    return %c0_i32, %c0_i32_0 : i32, i32
  }
  func.func @transform_3(%arg0: i32, %arg1: memref<24xi32, #tpu.memory_space<smem>>) -> (i32, i32, i32) {
    %get3A = arith.index_cast %arg0 : i32 to index
    %get3A_0 = memref.load %arg1[%get3A] : memref<24xi32, #tpu.memory_space<smem>>
    %c0_i32 = arith.constant 0 : i32
    %c0_i32_1 = arith.constant 0 : i32
    %c0_i32_2 = arith.constant 0 : i32
    return %get3A_0, %c0_i32, %c0_i32_1 : i32, i32, i32
  }
  func.func @transform_4(%arg0: i32, %arg1: memref<24xi32, #tpu.memory_space<smem>>) -> (i32, i32) {
    %c0_i32 = arith.constant 0 : i32
    %c0_i32_0 = arith.constant 0 : i32
    return %arg0, %c0_i32 : i32, i32
  }
}

</mosaic_0001>

<sc_bundles>
// kernel: _run.10.cloned.1.call-start
scs
__scs_entry_jumppad:
0x0: {  	(pc) =	sbr.rel $0x88, $3  }
0x1: {  	(tag) =	ssettag $0x0;
	lr =	simm.s32 $0x1  }
0x2: {  	[smem:$0x3F9B] =	sst lr;
	_ =	strace $0xD0000000  }
0x3: {  	_ = 	snop  }
0x4: {  	_ = 	snop  }
0x5: {  	_ = 	snop  }
0x6: {  	_ = 	snop  }
0x7: {  	_ = 	snop  }
__scs_overlays_trampoline_lowered:
0x8: {  	[smem:$0x3FAA] =	sst s0  }
0x9: {  	[smem:$0x3FAB] =	sst s1  }
0xa: {  	[smem:$0x3FAC] =	sst s2  }
0xb: {  	[smem:$0x3FAD] =	sst s3  }
0xc: {  	[smem:$0x3FAE] =	sst s4  }
0xd: {  	[smem:$0x3FAF] =	sst s5  }
0xe: {  	[smem:$0x3FB0] =	sst s6  }
0xf: {  	[smem:$0x3FB1] =	sst s7  }
0x10: {  	[smem:$0x3FB2] =	sst s8  }
0x11: {  	[smem:$0x3FB3] =	sst s9;
	s0 =	simm.s32 @!p0 $0x0  }
0x12: {  	s1 =	sld [smem:$0x3F99];
	s0 =	simm.s32 @p0 $0x1  }
0x13: {  	[smem:$0x3FB4] =	sst s0;
	s0 =	simm.s32 @!p1 $0x0  }
0x14: {  	s2 =	sld [smem:$0x3F98];
	s0 =	simm.s32 @p1 $0x1  }
0x15: {  	[smem:$0x3FB5] =	sst s0;
	s0 =	simm.s32 @!p2 $0x0  }
0x16: {  	s3 =	sld [smem:$0x3FDB];
	s0 =	simm.s32 @p2 $0x1  }
0x17: {  	s4 =	simm.s32 $0x1BF5;
	[smem:$0x3FB7] =	sst s0  }
0x18: {  	s0 =	sld [smem:$0x3F9A];
	_ =	swait.ge [sflag:s4], $0x0  }
0x19: {  	s7 =	sld [smem:$0x3F9B]  }
0x1a: {  	s8 =	sadd.s32 $0xFFFFE003, lr  }
0x1b: {  	s9 =	sadd.s32 $0xFFFFFEF7, lr;
	s5 =	simm.s32 $0xFFFFFFFF;
	p2 =	slt.u32 s8, $0xFFFFF086  }
0x1c: {  	p1 =	slt.u32 s9, $0xF7A;
	s5 =	simm.s32 @!p2 $0x0  }
0x1d: {  	s5 =	simm.s32 @p1 $0x1;
	p0 =	seq.s32 s7, s2  }
0x1e: {  	s7 =	smul.u32 @!p0 $0xF7A, s2;
	p2 =	seq.s32 @!p0 s5, $0x0  }
0x1f: {  	s9 =	smul.u32 $0xF7A, s1;
	s8 =	simm.s32 @!p0 $0x1BF5;
	p2 =	por !p2, p0  }
0x20: {  	[sflag:s8] =	ssyncset.s32 @!p0 $0xFFFFF086;
	s6 =	sadd.s32 @!p0 s3, s7;
	s7 =	simm.s32 @!p0 $0x108  }
0x21: {  	s3 =	sadd.s32 s3, s9;
	s6 =	sadd.s32 @!p0 $0x88, s6;
	s7 =	simm.s32 @p2 $0x1082  }
0x22: {  	[simem:s7], [sflag:s8] =	dma.local @!p0 [hbm:s6], $0xF7A  }
0x23: {  	s9 =	sor.u32 $0xD0000000, s2;
	s6 =	simm.s32 $0x108;
	_ =	swait.ge @!p0 [sflag:s8], $0x0  }
0x24: {  	s3 =	sadd.s32 $0x88, s3;
	s6 =	simm.s32 @!p1 $0x1082;
	[sflag:s4] =	ssyncset.s32 $0xFFFFF086  }
0x25: {  	[simem:s6], [sflag:s4] =	dma.local [hbm:s3], $0xF7A  }
0x26: {  	[smem:$0x3F9B] =	sst s1;
	(tag) =	ssettag s2;
	_ =	strace s9  }
0x27: {  	s1 =	sld [smem:$0x3FAB]  }
0x28: {  	s2 =	sld [smem:$0x3FAC]  }
0x29: {  	s4 =	sld [smem:$0x3FAE]  }
0x2a: {  	p0 =	seq.s32 s5, $0x0;
	s5 =	sld [smem:$0x3FAF]  }
0x2b: {  	s6 =	sld [smem:$0x3FB0]  }
0x2c: {  	s7 =	sld [smem:$0x3FB1]  }
0x2d: {  	s3 =	simm.s32 $0x108;
	s8 =	sld [smem:$0x3FB2]  }
0x2e: {  	s3 =	simm.s32 @!p0 $0x1082;
	s9 =	sld [smem:$0x3FB3]  }
0x2f: {  	lr =	sadd.s32 s0, s3;
	s0 =	sld [smem:$0x3FAA]  }
0x30: {  	s3 =	sld [smem:$0x3FAD]  }
0x31: {  	[smem:$0x3FB6] =	sst s10  }
0x32: {  	s10 =	sld [smem:$0x3FB4];
	_ =	sdelay $0x3  }
0x33: {  	p0 =	seq.s32 s10, $0x1;
	s10 =	sld [smem:$0x3FB6];
	_ =	sdelay $0x3  }
0x34: {  	[smem:$0x3FB6] =	sst s10  }
0x35: {  	s10 =	sld [smem:$0x3FB5];
	_ =	sdelay $0x3  }
0x36: {  	p1 =	seq.s32 s10, $0x1;
	s10 =	sld [smem:$0x3FB6];
	_ =	sdelay $0x3  }
0x37: {  	[smem:$0x3FB6] =	sst s10  }
0x38: {  	s10 =	sld [smem:$0x3FB7]  }
0x39: {  	_ = 	snop;
	(pc) =	sbr.ind lr, $3  }
0x3a: {  	_ = 	snop  }
0x3b: {  	_ = 	snop  }
0x3c: {  	p2 =	seq.s32 s10, $0x1;
	s10 =	sld [smem:$0x3FB6]  }
0x3d: {  	_ =	shalt  }
0x3e: {  	_ =	shalt  }
0x3f: {  	_ =	shalt  }
0x40: {  	_ =	shalt  }
0x41: {  	_ =	shalt  }
0x42: {  	_ =	shalt  }
0x43: {  	_ =	shalt  }
0x44: {  	_ =	shalt  }
0x45: {  	_ =	shalt  }
0x46: {  	_ =	shalt  }
0x47: {  	_ =	shalt  }
0x48: {  	_ =	shalt  }
0x49: {  	_ =	shalt  }
0x4a: {  	_ =	shalt  }
0x4b: {  	_ =	shalt  }
0x4c: {  	_ =	shalt  }
0x4d: {  	_ =	shalt  }
0x4e: {  	_ =	shalt  }
0x4f: {  	_ =	shalt  }
0x50: {  	_ =	shalt  }
0x51: {  	_ =	shalt  }
0x52: {  	_ =	shalt  }
0x53: {  	_ =	shalt  }
0x54: {  	_ =	shalt  }
0x55: {  	_ =	shalt  }
0x56: {  	_ =	shalt  }
0x57: {  	_ =	shalt  }
0x58: {  	_ =	shalt  }
0x59: {  	_ =	shalt  }
0x5a: {  	_ =	shalt  }
0x5b: {  	_ =	shalt  }
0x5c: {  	_ =	shalt  }
0x5d: {  	_ =	shalt  }
0x5e: {  	_ =	shalt  }
0x5f: {  	_ =	shalt  }
0x60: {  	_ =	shalt  }
0x61: {  	_ =	shalt  }
0x62: {  	_ =	shalt  }
0x63: {  	_ =	shalt  }
0x64: {  	_ =	shalt  }
0x65: {  	_ =	shalt  }
0x66: {  	_ =	shalt  }
0x67: {  	_ =	shalt  }
0x68: {  	_ =	shalt  }
0x69: {  	_ =	shalt  }
0x6a: {  	_ =	shalt  }
0x6b: {  	_ =	shalt  }
0x6c: {  	_ =	shalt  }
0x6d: {  	_ =	shalt  }
0x6e: {  	_ =	shalt  }
0x6f: {  	_ =	shalt  }
0x70: {  	_ =	shalt  }
0x71: {  	_ =	shalt  }
0x72: {  	_ =	shalt  }
0x73: {  	_ =	shalt  }
0x74: {  	_ =	shalt  }
0x75: {  	_ =	shalt  }
0x76: {  	_ =	shalt  }
0x77: {  	_ =	shalt  }
0x78: {  	_ =	shalt  }
0x79: {  	_ =	shalt  }
0x7a: {  	_ =	shalt  }
0x7b: {  	_ =	shalt  }
0x7c: {  	_ =	shalt  }
0x7d: {  	_ =	shalt  }
0x7e: {  	_ =	shalt  }
0x7f: {  	_ =	shalt  }
0x80: {  	_ =	shalt  }
0x81: {  	_ =	shalt  }
0x82: {  	_ =	shalt  }
0x83: {  	_ =	shalt  }
0x84: {  	_ =	shalt  }
0x85: {  	_ =	shalt  }
0x86: {  	_ =	shalt  }
0x87: {  	_ =	shalt  }
.Lfunc_end0:
.L_simem_size_0:
called_computation.1_lowered:
.L_overlay_start_0:
0x88: {  	s2 =	sld [smem:$0x3FD9]  }
0x89: {  	s3 =	sld [smem:$0x3FFE];
	_ =	sdelay $0x1  }
0x8a: {  	s1 =	srdreg.scid  }
0x8b: {  	s0 =	sand.u32 $0x1, s1  }
0x8c: {  	s14 =	sshll.u32 s0, $0xA;
	s2 =	sadd.s32 s3, s2  }
0x8d: {  	s2 =	sadd.s32 s2, s14  }
0x8e: {  	[smem:$0x3FC2] =	sst s2  }
0x8f: {  	_ = 	snop  }
0x90: {  	s2 =	sld [smem:$0x3FD0];
	_ =	sdelay $0x2  }
0x91: {  	s15 =	simm.s32 $0xA;
	s4 =	simm.s32 $0x10  }
0x92: {  	[smem:s4], [sflag:s15] =	dma.local [hbm:s2], $0x1  }
0x93: {  	_ =	swait.eq [sflag:s15], $0x1  }
0x94: {  	[sflag:s15] =	ssyncset.done $0x0  }
0x95: {  	[sflag:s15] =	ssyncadd.s32 $0xFFFFFFFF  }
0x96: {  	s16 =	sld [smem:$0x10];
	(tm) =	ssettm $0x1  }
0x97: {  	s17 =	sld [smem:$0x3FFB];
	_ =	sdelay $0x3  }
0x98: {  	_ =	strace s17  }
0x99: {  	s3 =	sld [smem:$0x3FFC];
	_ =	sdelay $0x3  }
0x9a: {  	_ =	strace s3  }
0x9b: {  	s3 =	sld [smem:$0x3FFD];
	_ =	sdelay $0x3  }
0x9c: {  	_ =	strace s3  }
0x9d: {  	_ =	strace $0x8FFFFFFF  }
0x9e: {  	s18 =	sld [smem:$0x3FDB];
	_ =	sdelay $0x1  }
0x9f: {  	s19 =	simm.s32 $_scs_section_size  }
0xa0: {  	s5 =	simm.s32 $_size__tile_overlayer_lowered;
	s6 =	simm.s32 $_tile_overlayer_lowered  }
0xa1: {  	s22 =	simm.s32 $0x1BFF;
	s21 =	sshll.u32 s6, $0x1;
	s3 =	sadd.s32 s19, s18  }
0xa2: {  	s7 =	simm.s32 $0x0;
	s20 =	sshll.u32 s5, $0x1;
	s5 =	sadd.s32 s21, s3  }
0xa3: {  	[timem:s7], [sflag:s22] =	dma.local [hbm:s5], s20  }
0xa4: {  	_ =	swait.ge [sflag:s22], s20  }
0xa5: {  	s4 =	ssub.s32 $0x0, s20;
	[sflag:s22] =	ssyncset.done $0x0  }
0xa6: {  	[sflag:s22] =	ssyncadd.s32 s4;
	_ =	sdelay $0x1  }
0xa7: {  	s23 =	simm.s32 $0x1B8B  }
0xa8: {  	_ =	swait.ge [sflag:s23], $0x1  }
0xa9: {  	[sflag:s23] =	ssyncset.done $0x0  }
0xaa: {  	s25 =	simm.s32 $0x1B8E;
	s24 =	sld [smem:$0x3FFE];
	[sflag:s23] =	ssyncadd.s32 $0xFFFFFFFF  }
0xab: {  	s26 =	simm.s32 $execute0_lowered;
	[smem:$0x3FD2] =	sst s25  }
0xac: {  	s5 =	sshll.u32 s26, $0x1;
	_ =	strace $0x80000049;
	[dreg:$0x1] =	wrdreg $0xFFFFFFFF  }
0xad: {  	s28 =	simm.s32 $_size_execute0_lowered;
	s3 =	sadd.s32 s3, s5;
	[dreg:$0x0] =	wrdreg $0x0  }
0xae: {  	s5 =	sshll.u32 s28, $0x1;
	[dreg:$0x2] =	wrdreg s3  }
0xaf: {  	[dreg:$0x3] =	wrdreg s5  }
0xb0: {  	[dreg:$0x4] =	wrdreg $0xC0  }
0xb1: {  	_ =	task [dreg:s7], $0x5FFFF  }
0xb2: {  	[dreg:$0x1] =	wrdreg $0xFFFFFFFF  }
0xb3: {  	[dreg:$0x0] =	wrdreg $0x60  }
0xb4: {  	[dreg:$0x2] =	wrdreg s24  }
0xb5: {  	[dreg:$0x3] =	wrdreg s16  }
0xb6: {  	[dreg:$0x4] =	wrdreg $0x9  }
0xb7: {  	_ =	task.clear_ibuf [dreg:s7], $0x5FFFF;
	_ =	strace $0x90000049  }
0xb8: {  	s29 =	simm.s32 $0x9;
	_ =	strace $0x8000004B  }
0xb9: {  	_ =	swait.ge [sflag:s29], $0x1  }
0xba: {  	[sflag:s29] =	ssyncadd.s32 $0xFFFFFFFF  }
0xbb: {  	_ =	strace $0x9000004B  }
0xbc: {  	_ =	sfence  }
0xbd: {  	s30 =	sld [smem:$0x0];
	_ =	sdelay $0x2  }
0xbe: {  	s31 =	sshll.u32 s1, $0xD;
	s1 =	sshrl.u32 s1, $0x2  }
0xbf: {  	s3 =	sand.u32 $0x4000, s31;
	s1 =	sadd.s32 s1, s30  }
0xc0: {  	s0 =	sor.u32 s3, s0;
	s1 =	sshll.u32 s1, $0x11  }
0xc1: {  	s0 =	sor.u32 s1, s0  }
0xc2: {  	s0 =	sadd.s32 $0x8F2B, s0  }
0xc3: {  	[sflag:s0] =	ssyncadd.remote.s32 $0x1  }
0xc4: {  	_ =	sfence.sel $0xFFFF  }
0xc5: {  	[dreg:$0x0] =	wrdreg $0xFFFFFFFF;
	(pc) =	sbr.abs _section_cstart, $3  }
0xc6: {  	[dreg:$0x1] =	wrdreg $0xFFFFFFFF  }
0xc7: {  	_ =	task.clear_ibuf [dreg:s7], $0x2FFFF;
	_ =	strace $0x9FFFFFFF  }
0xc8: {  	(tm) =	ssettm $0x7FFFFFFF  }
0xc9: {  	_ =	shalt  }
tec
execute0_lowered:
.L_overlay_start_1:
0x0: {  	(tag) =	ssettag $0x1  }
0x1: {  	s0 =	srdreg.scid  }
0x2: {  	s2 =	stileid.u32;
	s0 =	sand.u32 $0x1, s0  }
0x3: {  	s1 =	rddreg [dreg:$0x0];
	s2 =	sshll.u32 s2, $0x8;
	s3 =	sshll.u32 s0, $0x7  }
0x4: {  	s4 =	rddreg [dreg:$0x1];
	s3 =	sor.u32 s3, s2;
	s2 =	simm.s32 $0x0  }
0x5: {  	s18 =	simm.s32 $0x80;
	[smem:$0x7FF] =	sst s2  }
0x6: {  	s19 =	simm.s32 $0x8900;
	_ =	strace $0x8000004A;
	[dreg:$0xd] =	wrdreg s18  }
0x7: {  	s20 =	simm.s32 $0x9100;
	[dreg:$0xe] =	wrdreg s19  }
0x8: {  	s21 =	simm.s32 $0x9900;
	s22 =	simm.s32 $0xA100;
	[dreg:$0xf] =	wrdreg s20  }
0x9: {  	s23 =	simm.s32 $0xA900;
	s25 =	simm.s32 $0xB100;
	[dreg:$0x10] =	wrdreg s21  }
0xa: {  	s26 =	simm.s32 $0xB900;
	s10 =	simm.s32 $0xE900;
	[dreg:$0x11] =	wrdreg s22  }
0xb: {  	s9 =	sadd.s32 $0xC1600, s1;
	s0 =	ssub.s32 $0x2, s0;
	[dreg:$0x12] =	wrdreg s23  }
0xc: {  	s24 =	sshrl.u32 s0, $0x1;
	s5 =	sshrl.u32 s3, $0x3;
	[dreg:$0x13] =	wrdreg s25  }
0xd: {  	s3 =	sshll.u32 s3, $0x6;
	s0 =	ssub.s32 s0, s24;
	[dreg:$0x14] =	wrdreg s26  }
0xe: {  	s24 =	simm.s32 $0x16900;
	s11 =	sadd.s32 s4, s3;
	[dreg:$0x19] =	wrdreg s10  }
0xf: {  	s12 =	sor.u32 $0x800, s3;
	s7 =	sor.u32 $0x1000, s3;
	[smem:$0x7FB] =	sst s24  }
0x10: {  	s8 =	sor.u32 $0x1800, s3;
	s3 =	sadd.s32 s9, s3;
	[dreg:$0x5] =	wrdreg s11  }
0x11: {  	s18 =	simm.s32 $0x13100;
	[dreg:$0x9] =	wrdreg s3  }
0x12: {  	s29 =	simm.s32 $0x2;
	s19 =	simm.s32 $0x13900;
	[smem:$0x7F5] =	sst s18  }
0x13: {  	s30 =	simm.s32 $0x7;
	s20 =	simm.s32 $0x14900;
	[smem:$0x7F6] =	sst s19  }
0x14: {  	s28 =	simm.s32 $0x5900;
	s21 =	simm.s32 $0x15100;
	[smem:$0x7F7] =	sst s20  }
0x15: {  	s31 =	simm.s32 $0x6100;
	s22 =	simm.s32 $0x15900;
	[smem:$0x7F8] =	sst s21  }
0x16: {  	s5 =	sadd.s32 s5, s1;
	s23 =	simm.s32 $0x16100;
	[smem:$0x7F9] =	sst s22  }
0x17: {  	s25 =	simm.s32 $0x17100;
	s26 =	simm.s32 $0x17900;
	[smem:$0x7FA] =	sst s23  }
0x18: {  	s24 =	simm.s32 $0x4900;
	s10 =	simm.s32 $0x8100;
	[smem:$0x7FC] =	sst s25  }
0x19: {  	s6 =	sadd.s32 $0x1400, s5;
	s5 =	sadd.s32 $0x1200, s5;
	[smem:$0x7FD] =	sst s26  }
0x1a: {  	s13 =	sadd.s32 s4, s12;
	s14 =	sadd.s32 s4, s7;
	[dreg:$0x3] =	wrdreg s6  }
0x1b: {  	s4 =	sadd.s32 s4, s8;
	s15 =	sadd.s32 s9, s12;
	[dreg:$0x4] =	wrdreg s5  }
0x1c: {  	s16 =	sadd.s32 s9, s7;
	s17 =	sadd.s32 s9, s8;
	[dreg:$0x6] =	wrdreg s13  }
0x1d: {  	s3 =	sadd.s32 $0x1600, s1;
	s7 =	simm.s32 $0xD100;
	[dreg:$0x7] =	wrdreg s14  }
0x1e: {  	s8 =	simm.s32 $0xD900;
	s9 =	simm.s32 $0xE100;
	[dreg:$0x8] =	wrdreg s4  }
0x1f: {  	s11 =	simm.s32 $0xF100;
	s12 =	simm.s32 $0xF900;
	[dreg:$0xa] =	wrdreg s15  }
0x20: {  	s26 =	simm.s32 $0x1;
	s18 =	simm.s32 $0x1100;
	[dreg:$0xb] =	wrdreg s16  }
0x21: {  	s19 =	simm.s32 $0x1900;
	s20 =	simm.s32 $0x2100;
	[dreg:$0xc] =	wrdreg s17  }
0x22: {  	s21 =	simm.s32 $0x2900;
	s22 =	simm.s32 $0x3100;
	[dreg:$0x16] =	wrdreg s7  }
0x23: {  	s23 =	simm.s32 $0x3900;
	s25 =	simm.s32 $0x5100;
	[dreg:$0x17] =	wrdreg s8  }
0x24: {  	s4 =	sadd.s32 $0x1700, s1;
	s6 =	simm.s32 $0xC900;
	[dreg:$0x18] =	wrdreg s9  }
0x25: {  	s5 =	smax.u32 s0, $0x1;
	s7 =	simm.s32 $0x100;
	[dreg:$0x1a] =	wrdreg s11  }
0x26: {  	[dreg:$0x1b] =	wrdreg s12;
	s13 =	simm.s32 $0x10900;
	s14 =	simm.s32 $0x11100  }
0x27: {  	s15 =	simm.s32 $0x11900;
	s16 =	simm.s32 $0x12100;
	[dreg:$0x15] =	wrdreg s6  }
0x28: {  	s17 =	simm.s32 $0x12900;
	s1 =	simm.s32 $0x8;
	[dreg:$0x1c] =	wrdreg s13  }
0x29: {  	s8 =	simm.s32 $0x7100;
	s9 =	simm.s32 $0x7900;
	[dreg:$0x1d] =	wrdreg s14  }
0x2a: {  	v2 =	vlaneseq.u32;
	s11 =	simm.s32 $0xC100;
	s12 =	simm.s32 $0x10100;
	[dreg:$0x1e] =	wrdreg s15  }
0x2b: {  	vm0 =	vmmov $0xffff;
	v1 =	vshrl.u32 v2, $0x3;
	s6 =	simm.s32 $0xD;
	s15 =	simm.s32 $0x4100;
	[dreg:$0x1f] =	wrdreg s16  }
0x2c: {  	v0 =	vand.u32 $0x7, v2;
	v2 =	vor.u32 $0x8, v2;
	v1 =	vmul.u32 $0x8, v1;
	[smem:$0x7F4] =	sst s17;
	s17 =	simm.s32 $0x900;
	s13 =	simm.s32 $0x14100  }
.LBB2_1:
0x2d: {  	s14 =	rddreg [dreg:$0x3]  }
0x2e: {  	[tilespmem:s2], [sflag:$0xD] =	stream.linear.gather [hbm4b:s14+s2], $0x80, $0x38;
	[tilespmem:$0x18100] =	vst v63  }
0x2f: {  	_ =	swait.ge [sflag:s6], $0x80  }
0x30: {  	s0 =	rddreg [dreg:$0x4];
	[sflag:s6] =	ssyncset.done $0x0  }
0x31: {  	s16 =	rddreg [dreg:$0xd];
	[sflag:s6] =	ssyncadd.s32 $0xFFFFFF80  }
0x32: {  	[tilespmem:s16], [sflag:$0xD] =	stream.linear.gather [hbm4b:s0+s2], $0x80, $0x38;
	[tilespmem:$0x18100] =	vst v63  }
0x33: {  	_ =	swait.ge [sflag:s6], $0x80  }
0x34: {  	[sflag:s6] =	ssyncset.done $0x0  }
0x35: {  	[sflag:s6] =	ssyncadd.s32 $0xFFFFFF80  }
0x36: {  	v3 =	vld [tilespmem:$0x0];
	_ =	sdelay $0x4  }
0x37: {  	v4 =	vshll.u32 v3, $0x2  }
0x38: {  	v3 =	vand.u32 $0x7, v3;
	v4 =	vand.u32 $0xFFFFFFE0, v4  }
0x39: {  	v3 =	vor.u32 v3, v4  }
0x3a: {  	v4 =	vperm.xlane v3, v0;
	_ =	sdelay $0x1  }
0x3b: {  	v4 =	vadd.s32 v1, v4;
	_ =	sdelay $0x1  }
0x3c: {  	v3 =	vperm.xlane v3, v2;
	_ =	sdelay $0x1  }
0x3d: {  	v3 =	vadd.s32 v1, v3  }
0x3e: {  	[tilespmem:s7], [sflag:$0x1] =	stream.indirect_vreg.gather [hbm4b:s3+s2], $0x80, v4, vm0, $0xb8;
	[tilespmem:$0x18100] =	vst v63  }
0x3f: {  	_ = 	snop  }
0x40: {  	[tilespmem:s17], [sflag:$0x1] =	stream.indirect_vreg.gather [hbm4b:s4+s2], $0x80, v4, vm0, $0xb8;
	[tilespmem:$0x18100] =	vst v63  }
0x41: {  	_ = 	snop  }
0x42: {  	[tilespmem:s18], [sflag:$0x1] =	stream.indirect_vreg.gather [hbm4b:s3+s2], $0x80, v3, vm0, $0xb8;
	[tilespmem:$0x18100] =	vst v63  }
0x43: {  	_ = 	snop  }
0x44: {  	[tilespmem:s19], [sflag:$0x1] =	stream.indirect_vreg.gather [hbm4b:s4+s2], $0x80, v3, vm0, $0xb8;
	[tilespmem:$0x18100] =	vst v63  }
0x45: {  	v3 =	vld [tilespmem:$0x10];
	_ =	sdelay $0x4  }
0x46: {  	v49 =	vshll.u32 v3, $0x2  }
0x47: {  	v3 =	vand.u32 $0x7, v3;
	v4 =	vand.u32 $0xFFFFFFE0, v49  }
0x48: {  	v3 =	vor.u32 v3, v4  }
0x49: {  	v4 =	vperm.xlane v3, v0;
	_ =	sdelay $0x1  }
0x4a: {  	v4 =	vadd.s32 v1, v4;
	_ =	sdelay $0x1  }
0x4b: {  	v3 =	vperm.xlane v3, v2;
	_ =	sdelay $0x1  }
0x4c: {  	v3 =	vadd.s32 v1, v3  }
0x4d: {  	[tilespmem:s20], [sflag:$0x1] =	stream.indirect_vreg.gather [hbm4b:s3+s2], $0x80, v4, vm0, $0xb8;
	[tilespmem:$0x18100] =	vst v63  }
0x4e: {  	_ = 	snop  }
0x4f: {  	[tilespmem:s21], [sflag:$0x1] =	stream.indirect_vreg.gather [hbm4b:s4+s2], $0x80, v4, vm0, $0xb8;
	[tilespmem:$0x18100] =	vst v63  }
0x50: {  	_ = 	snop  }
0x51: {  	[tilespmem:s22], [sflag:$0x1] =	stream.indirect_vreg.gather [hbm4b:s3+s2], $0x80, v3, vm0, $0xb8;
	[tilespmem:$0x18100] =	vst v63  }
0x52: {  	_ = 	snop  }
0x53: {  	[tilespmem:s23], [sflag:$0x1] =	stream.indirect_vreg.gather [hbm4b:s4+s2], $0x80, v3, vm0, $0xb8;
	[tilespmem:$0x18100] =	vst v63  }
0x54: {  	v3 =	vld [tilespmem:$0x20];
	_ =	sdelay $0x4  }
0x55: {  	v50 =	vshll.u32 v3, $0x2  }
0x56: {  	v3 =	vand.u32 $0x7, v3;
	v4 =	vand.u32 $0xFFFFFFE0, v50  }
0x57: {  	v3 =	vor.u32 v3, v4  }
0x58: {  	v4 =	vperm.xlane v3, v0;
	_ =	sdelay $0x1  }
0x59: {  	v4 =	vadd.s32 v1, v4;
	_ =	sdelay $0x1  }
0x5a: {  	v3 =	vperm.xlane v3, v2;
	_ =	sdelay $0x1  }
0x5b: {  	v3 =	vadd.s32 v1, v3  }
0x5c: {  	[tilespmem:s15], [sflag:$0x2] =	stream.indirect_vreg.gather [hbm4b:s3+s2], $0x80, v4, vm0, $0xb8;
	[tilespmem:$0x18100] =	vst v63  }
0x5d: {  	_ = 	snop  }
0x5e: {  	[tilespmem:s24], [sflag:$0x2] =	stream.indirect_vreg.gather [hbm4b:s4+s2], $0x80, v4, vm0, $0xb8;
	[tilespmem:$0x18100] =	vst v63  }
0x5f: {  	_ = 	snop  }
0x60: {  	[tilespmem:s25], [sflag:$0x2] =	stream.indirect_vreg.gather [hbm4b:s3+s2], $0x80, v3, vm0, $0xb8;
	[tilespmem:$0x18100] =	vst v63  }
0x61: {  	_ = 	snop  }
0x62: {  	[tilespmem:s28], [sflag:$0x2] =	stream.indirect_vreg.gather [hbm4b:s4+s2], $0x80, v3, vm0, $0xb8;
	[tilespmem:$0x18100] =	vst v63  }
0x63: {  	v3 =	vld [tilespmem:$0x30];
	_ =	sdelay $0x4  }
0x64: {  	v51 =	vshll.u32 v3, $0x2  }
0x65: {  	v3 =	vand.u32 $0x7, v3;
	v4 =	vand.u32 $0xFFFFFFE0, v51  }
0x66: {  	v3 =	vor.u32 v3, v4  }
0x67: {  	v4 =	vperm.xlane v3, v0;
	_ =	sdelay $0x1  }
0x68: {  	v4 =	vadd.s32 v1, v4;
	_ =	sdelay $0x1  }
0x69: {  	v3 =	vperm.xlane v3, v2;
	_ =	sdelay $0x1  }
0x6a: {  	v3 =	vadd.s32 v1, v3  }
0x6b: {  	[tilespmem:s31], [sflag:$0x2] =	stream.indirect_vreg.gather [hbm4b:s3+s2], $0x80, v4, vm0, $0xb8;
	[tilespmem:$0x18100] =	vst v63  }
0x6c: {  	s0 =	simm.s32 $0x6900  }
0x6d: {  	[tilespmem:s0], [sflag:$0x2] =	stream.indirect_vreg.gather [hbm4b:s4+s2], $0x80, v4, vm0, $0xb8;
	[tilespmem:$0x18100] =	vst v63  }
0x6e: {  	_ = 	snop  }
0x6f: {  	[tilespmem:s8], [sflag:$0x2] =	stream.indirect_vreg.gather [hbm4b:s3+s2], $0x80, v3, vm0, $0xb8;
	[tilespmem:$0x18100] =	vst v63  }
0x70: {  	_ = 	snop  }
0x71: {  	[tilespmem:s9], [sflag:$0x2] =	stream.indirect_vreg.gather [hbm4b:s4+s2], $0x80, v3, vm0, $0xb8;
	[tilespmem:$0x18100] =	vst v63  }
0x72: {  	v3 =	vld [tilespmem:$0x40];
	_ =	sdelay $0x4  }
0x73: {  	v52 =	vshll.u32 v3, $0x2  }
0x74: {  	v3 =	vand.u32 $0x7, v3;
	v4 =	vand.u32 $0xFFFFFFE0, v52  }
0x75: {  	v3 =	vor.u32 v3, v4  }
0x76: {  	v4 =	vperm.xlane v3, v0;
	_ =	sdelay $0x1  }
0x77: {  	v4 =	vadd.s32 v1, v4;
	_ =	sdelay $0x1  }
0x78: {  	v3 =	vperm.xlane v3, v2;
	_ =	sdelay $0x1  }
0x79: {  	v3 =	vadd.s32 v1, v3  }
0x7a: {  	[tilespmem:s10], [sflag:$0x3] =	stream.indirect_vreg.gather [hbm4b:s3+s2], $0x80, v4, vm0, $0xb8;
	[tilespmem:$0x18100] =	vst v63  }
0x7b: {  	s14 =	rddreg [dreg:$0xe]  }
0x7c: {  	[tilespmem:s14], [sflag:$0x3] =	stream.indirect_vreg.gather [hbm4b:s4+s2], $0x80, v4, vm0, $0xb8;
	[tilespmem:$0x18100] =	vst v63  }
0x7d: {  	s16 =	rddreg [dreg:$0xf]  }
0x7e: {  	[tilespmem:s16], [sflag:$0x3] =	stream.indirect_vreg.gather [hbm4b:s3+s2], $0x80, v3, vm0, $0xb8;
	[tilespmem:$0x18100] =	vst v63  }
0x7f: {  	s14 =	rddreg [dreg:$0x10]  }
0x80: {  	[tilespmem:s14], [sflag:$0x3] =	stream.indirect_vreg.gather [hbm4b:s4+s2], $0x80, v3, vm0, $0xb8;
	[tilespmem:$0x18100] =	vst v63  }
0x81: {  	v3 =	vld [tilespmem:$0x50];
	_ =	sdelay $0x4  }
0x82: {  	v53 =	vshll.u32 v3, $0x2  }
0x83: {  	v3 =	vand.u32 $0x7, v3;
	v4 =	vand.u32 $0xFFFFFFE0, v53  }
0x84: {  	v3 =	vor.u32 v3, v4  }
0x85: {  	v4 =	vperm.xlane v3, v0;
	_ =	sdelay $0x1  }
0x86: {  	v4 =	vadd.s32 v1, v4;
	_ =	sdelay $0x1  }
0x87: {  	v3 =	vperm.xlane v3, v2;
	_ =	sdelay $0x1  }
0x88: {  	s14 =	rddreg [dreg:$0x11];
	v3 =	vadd.s32 v1, v3  }
0x89: {  	[tilespmem:s14], [sflag:$0x3] =	stream.indirect_vreg.gather [hbm4b:s3+s2], $0x80, v4, vm0, $0xb8;
	[tilespmem:$0x18100] =	vst v63  }
0x8a: {  	s16 =	rddreg [dreg:$0x12]  }
0x8b: {  	[tilespmem:s16], [sflag:$0x3] =	stream.indirect_vreg.gather [hbm4b:s4+s2], $0x80, v4, vm0, $0xb8;
	[tilespmem:$0x18100] =	vst v63  }
0x8c: {  	s14 =	rddreg [dreg:$0x13]  }
0x8d: {  	[tilespmem:s14], [sflag:$0x3] =	stream.indirect_vreg.gather [hbm4b:s3+s2], $0x80, v3, vm0, $0xb8;
	[tilespmem:$0x18100] =	vst v63  }
0x8e: {  	s16 =	rddreg [dreg:$0x14]  }
0x8f: {  	[tilespmem:s16], [sflag:$0x3] =	stream.indirect_vreg.gather [hbm4b:s4+s2], $0x80, v3, vm0, $0xb8;
	[tilespmem:$0x18100] =	vst v63  }
0x90: {  	v3 =	vld [tilespmem:$0x60];
	_ =	sdelay $0x4  }
0x91: {  	v54 =	vshll.u32 v3, $0x2  }
0x92: {  	v3 =	vand.u32 $0x7, v3;
	v4 =	vand.u32 $0xFFFFFFE0, v54  }
0x93: {  	v3 =	vor.u32 v3, v4  }
0x94: {  	v4 =	vperm.xlane v3, v0;
	_ =	sdelay $0x1  }
0x95: {  	v4 =	vadd.s32 v1, v4;
	_ =	sdelay $0x1  }
0x96: {  	v3 =	vperm.xlane v3, v2;
	_ =	sdelay $0x1  }
0x97: {  	v3 =	vadd.s32 v1, v3  }
0x98: {  	[tilespmem:s11], [sflag:$0x4] =	stream.indirect_vreg.gather [hbm4b:s3+s2], $0x80, v4, vm0, $0xb8;
	[tilespmem:$0x18100] =	vst v63  }
0x99: {  	s14 =	rddreg [dreg:$0x15]  }
0x9a: {  	[tilespmem:s14], [sflag:$0x4] =	stream.indirect_vreg.gather [hbm4b:s4+s2], $0x80, v4, vm0, $0xb8;
	[tilespmem:$0x18100] =	vst v63  }
0x9b: {  	s16 =	rddreg [dreg:$0x16]  }
0x9c: {  	[tilespmem:s16], [sflag:$0x4] =	stream.indirect_vreg.gather [hbm4b:s3+s2], $0x80, v3, vm0, $0xb8;
	[tilespmem:$0x18100] =	vst v63  }
0x9d: {  	s14 =	rddreg [dreg:$0x17]  }
0x9e: {  	[tilespmem:s14], [sflag:$0x4] =	stream.indirect_vreg.gather [hbm4b:s4+s2], $0x80, v3, vm0, $0xb8;
	[tilespmem:$0x18100] =	vst v63  }
0x9f: {  	v3 =	vld [tilespmem:$0x70];
	_ =	sdelay $0x4  }
0xa0: {  	v55 =	vshll.u32 v3, $0x2  }
0xa1: {  	v3 =	vand.u32 $0x7, v3;
	v4 =	vand.u32 $0xFFFFFFE0, v55  }
0xa2: {  	v3 =	vor.u32 v3, v4  }
0xa3: {  	v4 =	vperm.xlane v3, v0;
	_ =	sdelay $0x1  }
0xa4: {  	v4 =	vadd.s32 v1, v4;
	_ =	sdelay $0x1  }
0xa5: {  	v3 =	vperm.xlane v3, v2;
	_ =	sdelay $0x1  }
0xa6: {  	s14 =	rddreg [dreg:$0x18];
	v3 =	vadd.s32 v1, v3  }
0xa7: {  	[tilespmem:s14], [sflag:$0x4] =	stream.indirect_vreg.gather [hbm4b:s3+s2], $0x80, v4, vm0, $0xb8;
	[tilespmem:$0x18100] =	vst v63  }
0xa8: {  	s16 =	rddreg [dreg:$0x19]  }
0xa9: {  	[tilespmem:s16], [sflag:$0x4] =	stream.indirect_vreg.gather [hbm4b:s4+s2], $0x80, v4, vm0, $0xb8;
	[tilespmem:$0x18100] =	vst v63  }
0xaa: {  	s14 =	rddreg [dreg:$0x1a]  }
0xab: {  	[tilespmem:s14], [sflag:$0x4] =	stream.indirect_vreg.gather [hbm4b:s3+s2], $0x80, v3, vm0, $0xb8;
	[tilespmem:$0x18100] =	vst v63  }
0xac: {  	s16 =	rddreg [dreg:$0x1b]  }
0xad: {  	[tilespmem:s16], [sflag:$0x4] =	stream.indirect_vreg.gather [hbm4b:s4+s2], $0x80, v3, vm0, $0xb8;
	[tilespmem:$0x18100] =	vst v63  }
0xae: {  	v3 =	vld [tilespmem:$0x80];
	_ =	sdelay $0x4  }
0xaf: {  	v56 =	vshll.u32 v3, $0x2  }
0xb0: {  	v3 =	vand.u32 $0x7, v3;
	v4 =	vand.u32 $0xFFFFFFE0, v56  }
0xb1: {  	v3 =	vor.u32 v3, v4  }
0xb2: {  	v4 =	vperm.xlane v3, v0;
	_ =	sdelay $0x1  }
0xb3: {  	v4 =	vadd.s32 v1, v4;
	_ =	sdelay $0x1  }
0xb4: {  	v3 =	vperm.xlane v3, v2;
	_ =	sdelay $0x1  }
0xb5: {  	v3 =	vadd.s32 v1, v3  }
0xb6: {  	[tilespmem:s12], [sflag:$0x5] =	stream.indirect_vreg.gather [hbm4b:s3+s2], $0x80, v4, vm0, $0xb8;
	[tilespmem:$0x18100] =	vst v63  }
0xb7: {  	s14 =	rddreg [dreg:$0x1c]  }
0xb8: {  	[tilespmem:s14], [sflag:$0x5] =	stream.indirect_vreg.gather [hbm4b:s4+s2], $0x80, v4, vm0, $0xb8;
	[tilespmem:$0x18100] =	vst v63  }
0xb9: {  	s16 =	rddreg [dreg:$0x1d]  }
0xba: {  	[tilespmem:s16], [sflag:$0x5] =	stream.indirect_vreg.gather [hbm4b:s3+s2], $0x80, v3, vm0, $0xb8;
	[tilespmem:$0x18100] =	vst v63  }
0xbb: {  	s14 =	rddreg [dreg:$0x1e]  }
0xbc: {  	[tilespmem:s14], [sflag:$0x5] =	stream.indirect_vreg.gather [hbm4b:s4+s2], $0x80, v3, vm0, $0xb8;
	[tilespmem:$0x18100] =	vst v63  }
0xbd: {  	v3 =	vld [tilespmem:$0x90];
	_ =	sdelay $0x4  }
0xbe: {  	v57 =	vshll.u32 v3, $0x2  }
0xbf: {  	v3 =	vand.u32 $0x7, v3;
	v4 =	vand.u32 $0xFFFFFFE0, v57  }
0xc0: {  	v3 =	vor.u32 v3, v4  }
0xc1: {  	v4 =	vperm.xlane v3, v0;
	_ =	sdelay $0x1  }
0xc2: {  	v4 =	vadd.s32 v1, v4;
	_ =	sdelay $0x1  }
0xc3: {  	v3 =	vperm.xlane v3, v2  }
0xc4: {  	s16 =	sld [smem:$0x7F4]  }
0xc5: {  	s14 =	rddreg [dreg:$0x1f];
	v3 =	vadd.s32 v1, v3  }
0xc6: {  	[tilespmem:s14], [sflag:$0x5] =	stream.indirect_vreg.gather [hbm4b:s3+s2], $0x80, v4, vm0, $0xb8;
	[tilespmem:$0x18100] =	vst v63  }
0xc7: {  	s14 =	sld [smem:$0x7F5]  }
0xc8: {  	[tilespmem:s16], [sflag:$0x5] =	stream.indirect_vreg.gather [hbm4b:s4+s2], $0x80, v4, vm0, $0xb8;
	[tilespmem:$0x18100] =	vst v63  }
0xc9: {  	s16 =	sld [smem:$0x7F6]  }
0xca: {  	[tilespmem:s14], [sflag:$0x5] =	stream.indirect_vreg.gather [hbm4b:s3+s2], $0x80, v3, vm0, $0xb8;
	[tilespmem:$0x18100] =	vst v63  }
0xcb: {  	_ = 	snop  }
0xcc: {  	[tilespmem:s16], [sflag:$0x5] =	stream.indirect_vreg.gather [hbm4b:s4+s2], $0x80, v3, vm0, $0xb8;
	[tilespmem:$0x18100] =	vst v63  }
0xcd: {  	_ =	swait.ge [sflag:s26], $0x4000  }
0xce: {  	[sflag:s26] =	ssyncset.done $0x0  }
0xcf: {  	s16 =	rddreg [dreg:$0x5];
	[sflag:s26] =	ssyncadd.s32 $0xFFFFC000  }
0xd0: {  	[hbm4b:s16+s2] =	stream.linear.scatter [tilespmem:s7], [sflag:$0x7], $0x4000, $0x38;
	[tilespmem:$0x18100] =	vst v63  }
0xd1: {  	v3 =	vld [tilespmem:$0xA0];
	_ =	sdelay $0x4  }
0xd2: {  	v58 =	vshll.u32 v3, $0x2  }
0xd3: {  	v3 =	vand.u32 $0x7, v3;
	v4 =	vand.u32 $0xFFFFFFE0, v58  }
0xd4: {  	v3 =	vor.u32 v3, v4  }
0xd5: {  	v4 =	vperm.xlane v3, v0;
	_ =	sdelay $0x1  }
0xd6: {  	v4 =	vadd.s32 v1, v4;
	_ =	sdelay $0x1  }
0xd7: {  	v3 =	vperm.xlane v3, v2;
	_ =	sdelay $0x1  }
0xd8: {  	s14 =	sld [smem:$0x7F7];
	v3 =	vadd.s32 v1, v3  }
0xd9: {  	[tilespmem:s13], [sflag:$0x6] =	stream.indirect_vreg.gather [hbm4b:s3+s2], $0x80, v4, vm0, $0xb8;
	[tilespmem:$0x18100] =	vst v63  }
0xda: {  	s16 =	sld [smem:$0x7F8]  }
0xdb: {  	[tilespmem:s14], [sflag:$0x6] =	stream.indirect_vreg.gather [hbm4b:s4+s2], $0x80, v4, vm0, $0xb8;
	[tilespmem:$0x18100] =	vst v63  }
0xdc: {  	s14 =	sld [smem:$0x7F9]  }
0xdd: {  	[tilespmem:s16], [sflag:$0x6] =	stream.indirect_vreg.gather [hbm4b:s3+s2], $0x80, v3, vm0, $0xb8;
	[tilespmem:$0x18100] =	vst v63  }
0xde: {  	_ = 	snop  }
0xdf: {  	[tilespmem:s14], [sflag:$0x6] =	stream.indirect_vreg.gather [hbm4b:s4+s2], $0x80, v3, vm0, $0xb8;
	[tilespmem:$0x18100] =	vst v63  }
0xe0: {  	v3 =	vld [tilespmem:$0xB0];
	_ =	sdelay $0x4  }
0xe1: {  	v59 =	vshll.u32 v3, $0x2  }
0xe2: {  	v3 =	vand.u32 $0x7, v3;
	v4 =	vand.u32 $0xFFFFFFE0, v59  }
0xe3: {  	v3 =	vor.u32 v3, v4  }
0xe4: {  	v4 =	vperm.xlane v3, v0;
	_ =	sdelay $0x1  }
0xe5: {  	v4 =	vadd.s32 v1, v4;
	_ =	sdelay $0x1  }
0xe6: {  	s14 =	sld [smem:$0x7FA];
	v3 =	vperm.xlane v3, v2;
	_ =	sdelay $0x1  }
0xe7: {  	s16 =	sld [smem:$0x7FB];
	v3 =	vadd.s32 v1, v3  }
0xe8: {  	[tilespmem:s14], [sflag:$0x6] =	stream.indirect_vreg.gather [hbm4b:s3+s2], $0x80, v4, vm0, $0xb8;
	[tilespmem:$0x18100] =	vst v63  }
0xe9: {  	s14 =	sld [smem:$0x7FC]  }
0xea: {  	[tilespmem:s16], [sflag:$0x6] =	stream.indirect_vreg.gather [hbm4b:s4+s2], $0x80, v4, vm0, $0xb8;
	[tilespmem:$0x18100] =	vst v63  }
0xeb: {  	s16 =	sld [smem:$0x7FD]  }
0xec: {  	[tilespmem:s14], [sflag:$0x6] =	stream.indirect_vreg.gather [hbm4b:s3+s2], $0x80, v3, vm0, $0xb8;
	[tilespmem:$0x18100] =	vst v63  }
0xed: {  	_ = 	snop  }
0xee: {  	[tilespmem:s16], [sflag:$0x6] =	stream.indirect_vreg.gather [hbm4b:s4+s2], $0x80, v3, vm0, $0xb8;
	[tilespmem:$0x18100] =	vst v63  }
0xef: {  	_ =	swait.ge [sflag:s29], $0x4000  }
0xf0: {  	[sflag:s29] =	ssyncset.done $0x0  }
0xf1: {  	s16 =	rddreg [dreg:$0x6];
	[sflag:s29] =	ssyncadd.s32 $0xFFFFC000  }
0xf2: {  	[hbm4b:s16+s2] =	stream.linear.scatter [tilespmem:s15], [sflag:$0x8], $0x4000, $0x38;
	[tilespmem:$0x18100] =	vst v63  }
0xf3: {  	_ =	swait.ge [sflag:s30], $0x4000  }
0xf4: {  	[sflag:s30] =	ssyncset.done $0x0  }
0xf5: {  	[sflag:s30] =	ssyncadd.s32 $0xFFFFC000  }
0xf6: {  	v3 =	vld [tilespmem:$0xC0];
	_ =	sdelay $0x4  }
0xf7: {  	v60 =	vshll.u32 v3, $0x2  }
0xf8: {  	v3 =	vand.u32 $0x7, v3;
	v4 =	vand.u32 $0xFFFFFFE0, v60  }
0xf9: {  	v3 =	vor.u32 v3, v4  }
0xfa: {  	v4 =	vperm.xlane v3, v0;
	_ =	sdelay $0x1  }
0xfb: {  	v4 =	vadd.s32 v1, v4;
	_ =	sdelay $0x1  }
0xfc: {  	v3 =	vperm.xlane v3, v2;
	_ =	sdelay $0x1  }
0xfd: {  	v3 =	vadd.s32 v1, v3  }
0xfe: {  	[tilespmem:s7], [sflag:$0x1] =	stream.indirect_vreg.gather [hbm4b:s3+s2], $0x80, v4, vm0, $0xb8;
	[tilespmem:$0x18100] =	vst v63  }
0xff: {  	_ = 	snop  }
0x100: {  	[tilespmem:s17], [sflag:$0x1] =	stream.indirect_vreg.gather [hbm4b:s4+s2], $0x80, v4, vm0, $0xb8;
	[tilespmem:$0x18100] =	vst v63  }
0x101: {  	_ = 	snop  }
0x102: {  	[tilespmem:s18], [sflag:$0x1] =	stream.indirect_vreg.gather [hbm4b:s3+s2], $0x80, v3, vm0, $0xb8;
	[tilespmem:$0x18100] =	vst v63  }
0x103: {  	_ = 	snop  }
0x104: {  	[tilespmem:s19], [sflag:$0x1] =	stream.indirect_vreg.gather [hbm4b:s4+s2], $0x80, v3, vm0, $0xb8;
	[tilespmem:$0x18100] =	vst v63  }
0x105: {  	v3 =	vld [tilespmem:$0xD0];
	_ =	sdelay $0x4  }
0x106: {  	v61 =	vshll.u32 v3, $0x2  }
0x107: {  	v3 =	vand.u32 $0x7, v3;
	v4 =	vand.u32 $0xFFFFFFE0, v61  }
0x108: {  	v3 =	vor.u32 v3, v4  }
0x109: {  	v4 =	vperm.xlane v3, v0;
	_ =	sdelay $0x1  }
0x10a: {  	v4 =	vadd.s32 v1, v4;
	_ =	sdelay $0x1  }
0x10b: {  	v3 =	vperm.xlane v3, v2;
	_ =	sdelay $0x1  }
0x10c: {  	v3 =	vadd.s32 v1, v3  }
0x10d: {  	[tilespmem:s20], [sflag:$0x1] =	stream.indirect_vreg.gather [hbm4b:s3+s2], $0x80, v4, vm0, $0xb8;
	[tilespmem:$0x18100] =	vst v63  }
0x10e: {  	_ = 	snop  }
0x10f: {  	[tilespmem:s21], [sflag:$0x1] =	stream.indirect_vreg.gather [hbm4b:s4+s2], $0x80, v4, vm0, $0xb8;
	[tilespmem:$0x18100] =	vst v63  }
0x110: {  	_ = 	snop  }
0x111: {  	[tilespmem:s22], [sflag:$0x1] =	stream.indirect_vreg.gather [hbm4b:s3+s2], $0x80, v3, vm0, $0xb8;
	[tilespmem:$0x18100] =	vst v63  }
0x112: {  	s16 =	simm.s32 $0x3  }
0x113: {  	[tilespmem:s23], [sflag:$0x1] =	stream.indirect_vreg.gather [hbm4b:s4+s2], $0x80, v3, vm0, $0xb8;
	[tilespmem:$0x18100] =	vst v63  }
0x114: {  	_ =	swait.ge [sflag:s16], $0x4000  }
0x115: {  	[sflag:s16] =	ssyncset.done $0x0  }
0x116: {  	s14 =	rddreg [dreg:$0x7];
	[sflag:s16] =	ssyncadd.s32 $0xFFFFC000  }
0x117: {  	[hbm4b:s14+s2] =	stream.linear.scatter [tilespmem:s10], [sflag:$0x9], $0x4000, $0x38;
	[tilespmem:$0x18100] =	vst v63  }
0x118: {  	_ =	swait.ge [sflag:s1], $0x4000  }
0x119: {  	[sflag:s1] =	ssyncset.done $0x0  }
0x11a: {  	[sflag:s1] =	ssyncadd.s32 $0xFFFFC000  }
0x11b: {  	v3 =	vld [tilespmem:$0xE0];
	_ =	sdelay $0x4  }
0x11c: {  	v62 =	vshll.u32 v3, $0x2  }
0x11d: {  	v3 =	vand.u32 $0x7, v3;
	v4 =	vand.u32 $0xFFFFFFE0, v62  }
0x11e: {  	v3 =	vor.u32 v3, v4  }
0x11f: {  	v4 =	vperm.xlane v3, v0;
	_ =	sdelay $0x1  }
0x120: {  	v4 =	vadd.s32 v1, v4;
	_ =	sdelay $0x1  }
0x121: {  	v3 =	vperm.xlane v3, v2;
	_ =	sdelay $0x1  }
0x122: {  	v3 =	vadd.s32 v1, v3  }
0x123: {  	[tilespmem:s15], [sflag:$0x2] =	stream.indirect_vreg.gather [hbm4b:s3+s2], $0x80, v4, vm0, $0xb8;
	[tilespmem:$0x18100] =	vst v63  }
0x124: {  	_ = 	snop  }
0x125: {  	[tilespmem:s24], [sflag:$0x2] =	stream.indirect_vreg.gather [hbm4b:s4+s2], $0x80, v4, vm0, $0xb8;
	[tilespmem:$0x18100] =	vst v63  }
0x126: {  	_ = 	snop  }
0x127: {  	[tilespmem:s25], [sflag:$0x2] =	stream.indirect_vreg.gather [hbm4b:s3+s2], $0x80, v3, vm0, $0xb8;
	[tilespmem:$0x18100] =	vst v63  }
0x128: {  	_ = 	snop  }
0x129: {  	[tilespmem:s28], [sflag:$0x2] =	stream.indirect_vreg.gather [hbm4b:s4+s2], $0x80, v3, vm0, $0xb8;
	[tilespmem:$0x18100] =	vst v63  }
0x12a: {  	v3 =	vld [tilespmem:$0xF0];
	_ =	sdelay $0x4  }
0x12b: {  	v63 =	vshll.u32 v3, $0x2  }
0x12c: {  	v3 =	vand.u32 $0x7, v3;
	v4 =	vand.u32 $0xFFFFFFE0, v63  }
0x12d: {  	v3 =	vor.u32 v3, v4  }
0x12e: {  	v4 =	vperm.xlane v3, v0;
	_ =	sdelay $0x1  }
0x12f: {  	v4 =	vadd.s32 v1, v4;
	_ =	sdelay $0x1  }
0x130: {  	v3 =	vperm.xlane v3, v2;
	_ =	sdelay $0x1  }
0x131: {  	v3 =	vadd.s32 v1, v3  }
0x132: {  	[tilespmem:s31], [sflag:$0x2] =	stream.indirect_vreg.gather [hbm4b:s3+s2], $0x80, v4, vm0, $0xb8;
	[tilespmem:$0x18100] =	vst v63  }
0x133: {  	_ = 	snop  }
0x134: {  	[tilespmem:s0], [sflag:$0x2] =	stream.indirect_vreg.gather [hbm4b:s4+s2], $0x80, v4, vm0, $0xb8;
	[tilespmem:$0x18100] =	vst v63  }
0x135: {  	_ = 	snop  }
0x136: {  	[tilespmem:s8], [sflag:$0x2] =	stream.indirect_vreg.gather [hbm4b:s3+s2], $0x80, v3, vm0, $0xb8;
	[tilespmem:$0x18100] =	vst v63  }
0x137: {  	s14 =	simm.s32 $0x4  }
0x138: {  	[tilespmem:s9], [sflag:$0x2] =	stream.indirect_vreg.gather [hbm4b:s4+s2], $0x80, v3, vm0, $0xb8;
	[tilespmem:$0x18100] =	vst v63  }
0x139: {  	_ =	swait.ge [sflag:s14], $0x4000  }
0x13a: {  	[sflag:s14] =	ssyncset.done $0x0  }
0x13b: {  	s16 =	rddreg [dreg:$0x8];
	[sflag:s14] =	ssyncadd.s32 $0xFFFFC000;
	s14 =	simm.s32 $0x5  }
0x13c: {  	[hbm4b:s16+s2] =	stream.linear.scatter [tilespmem:s11], [sflag:$0xA], $0x4000, $0x38;
	[tilespmem:$0x18100] =	vst v63  }
0x13d: {  	_ =	swait.ge [sflag:s14], $0x4000  }
0x13e: {  	[sflag:s14] =	ssyncset.done $0x0  }
0x13f: {  	s16 =	rddreg [dreg:$0x9];
	[sflag:s14] =	ssyncadd.s32 $0xFFFFC000;
	s14 =	simm.s32 $0x6  }
0x140: {  	[hbm4b:s16+s2] =	stream.linear.scatter [tilespmem:s12], [sflag:$0xB], $0x4000, $0x38;
	[tilespmem:$0x18100] =	vst v63  }
0x141: {  	_ =	swait.ge [sflag:s14], $0x4000  }
0x142: {  	[sflag:s14] =	ssyncset.done $0x0  }
0x143: {  	s16 =	rddreg [dreg:$0xa];
	[sflag:s14] =	ssyncadd.s32 $0xFFFFC000  }
0x144: {  	[hbm4b:s16+s2] =	stream.linear.scatter [tilespmem:s13], [sflag:$0xC], $0x4000, $0x38;
	[tilespmem:$0x18100] =	vst v63  }
0x145: {  	_ =	swait.ge [sflag:s26], $0x4000  }
0x146: {  	[sflag:s26] =	ssyncset.done $0x0  }
0x147: {  	s16 =	rddreg [dreg:$0xb];
	[sflag:s26] =	ssyncadd.s32 $0xFFFFC000  }
0x148: {  	[hbm4b:s16+s2] =	stream.linear.scatter [tilespmem:s7], [sflag:$0x7], $0x4000, $0x38;
	[tilespmem:$0x18100] =	vst v63  }
0x149: {  	_ =	swait.ge [sflag:s29], $0x4000  }
0x14a: {  	[sflag:s29] =	ssyncset.done $0x0  }
0x14b: {  	s14 =	simm.s32 $0x9;
	s0 =	rddreg [dreg:$0xc];
	[sflag:s29] =	ssyncadd.s32 $0xFFFFC000  }
0x14c: {  	[hbm4b:s0+s2] =	stream.linear.scatter [tilespmem:s15], [sflag:$0x8], $0x4000, $0x38;
	[tilespmem:$0x18100] =	vst v63  }
0x14d: {  	_ =	swait.ge [sflag:s14], $0x4000  }
0x14e: {  	[sflag:s14] =	ssyncset.done $0x0  }
0x14f: {  	s16 =	simm.s32 $0xA;
	[sflag:s14] =	ssyncadd.s32 $0xFFFFC000  }
0x150: {  	_ =	swait.ge [sflag:s16], $0x4000  }
0x151: {  	[sflag:s16] =	ssyncset.done $0x0  }
0x152: {  	s14 =	simm.s32 $0xB;
	[sflag:s16] =	ssyncadd.s32 $0xFFFFC000  }
0x153: {  	_ =	swait.ge [sflag:s14], $0x4000  }
0x154: {  	[sflag:s14] =	ssyncset.done $0x0  }
0x155: {  	s16 =	simm.s32 $0xC;
	[sflag:s14] =	ssyncadd.s32 $0xFFFFC000  }
0x156: {  	_ =	swait.ge [sflag:s16], $0x4000  }
0x157: {  	[sflag:s16] =	ssyncset.done $0x0  }
0x158: {  	[sflag:s16] =	ssyncadd.s32 $0xFFFFC000  }
0x159: {  	p0 =	sne.s32 s5, $0x1;
	_ =	swait.ge [sflag:s30], $0x4000  }
.Ltmp0:
0x15a: {  	[sflag:s30] =	ssyncset.done $0x0;
	(pc) =	sbr.rel @p0 .LBB2_1-.Ltmp0, $4  }
0x15b: {  	[sflag:s30] =	ssyncadd.s32 $0xFFFFC000  }
0x15c: {  	_ =	swait.ge [sflag:s1], $0x4000  }
0x15d: {  	[sflag:s1] =	ssyncset.done $0x0  }
0x15e: {  	s5 =	sadd.s32 $0xFFFFFFFF, s5;
	[sflag:s1] =	ssyncadd.s32 $0xFFFFC000  }
0x15f: {  	_ =	sfence.sel $0x180000  }
0x160: {  	[bflag:$0x0] =	sbarrier.arrive $0xFFFF  }
0x161: {  	_ =	strace $0x9000004A  }
0x162: {  	s0 =	stileid.u32;
	[bflag:$0x2] =	sbarrier.arrive $0xFFFF  }
0x163: {  	p0 =	sne.s32 s0, $0x0;
	s0 =	rddreg [dreg:$0x2]  }
0x164: {  	s0 =	sadd.s32 @!p0 $0x100000, s0  }
0x165: {  	[sflag:s0] =	ssyncadd.tile.s32 @!p0 $0x1;
	_ =	shalt  }
.Lfunc_end2:
_tile_overlayer_lowered:
.L_overlay_start_2:
0x166: {  	(tag) =	ssettag $0x2  }
0x167: {  	s0 =	rddreg [dreg:$0x0];
	s2 =	stileid.u32  }
0x168: {  	s1 =	rddreg [dreg:$0x1];
	p0 =	sne.s32 s2, $0x0  }
0x169: {  	s3 =	rddreg [dreg:$0x2];
	[bflag:$0x3] =	sbarrier.arrive $0xFFFF;
	s2 =	simm.s32 @!p0 $0x1C0D  }
0x16a: {  	[timem:s3], [sflag:s2] =	dma.local @!p0 [hbm:s0], s1  }
0x16b: {  	s0 =	simm.s32 @!p0 $0xD  }
0x16c: {  	_ =	swait.ge @!p0 [sflag:s0], s1  }
0x16d: {  	s1 =	ssub.s32 @!p0 $0x0, s1;
	[sflag:s0] =	ssyncset.done @!p0 $0x0  }
0x16e: {  	[sflag:s0] =	ssyncadd.s32 @!p0 s1  }
0x16f: {  	[bflag:$0x3] =	sbarrier.arrive $0xFFFF  }
0x170: {  	_ =	shalt  }

// kernel: _run.7.cloned.1.call-start
scs
__scs_entry_jumppad:
0x0: {  	(pc) =	sbr.rel $0x88, $3  }
0x1: {  	(tag) =	ssettag $0x0;
	lr =	simm.s32 $0x1  }
0x2: {  	[smem:$0x3F9B] =	sst lr;
	_ =	strace $0xD0000000  }
0x3: {  	_ = 	snop  }
0x4: {  	_ = 	snop  }
0x5: {  	_ = 	snop  }
0x6: {  	_ = 	snop  }
0x7: {  	_ = 	snop  }
__scs_overlays_trampoline_lowered:
0x8: {  	[smem:$0x3FAA] =	sst s0  }
0x9: {  	[smem:$0x3FAB] =	sst s1  }
0xa: {  	[smem:$0x3FAC] =	sst s2  }
0xb: {  	[smem:$0x3FAD] =	sst s3  }
0xc: {  	[smem:$0x3FAE] =	sst s4  }
0xd: {  	[smem:$0x3FAF] =	sst s5  }
0xe: {  	[smem:$0x3FB0] =	sst s6  }
0xf: {  	[smem:$0x3FB1] =	sst s7  }
0x10: {  	[smem:$0x3FB2] =	sst s8  }
0x11: {  	[smem:$0x3FB3] =	sst s9;
	s0 =	simm.s32 @!p0 $0x0  }
0x12: {  	s1 =	sld [smem:$0x3F99];
	s0 =	simm.s32 @p0 $0x1  }
0x13: {  	[smem:$0x3FB4] =	sst s0;
	s0 =	simm.s32 @!p1 $0x0  }
0x14: {  	s2 =	sld [smem:$0x3F98];
	s0 =	simm.s32 @p1 $0x1  }
0x15: {  	[smem:$0x3FB5] =	sst s0;
	s0 =	simm.s32 @!p2 $0x0  }
0x16: {  	s3 =	sld [smem:$0x3FDB];
	s0 =	simm.s32 @p2 $0x1  }
0x17: {  	s4 =	simm.s32 $0x1BF5;
	[smem:$0x3FB7] =	sst s0  }
0x18: {  	s0 =	sld [smem:$0x3F9A];
	_ =	swait.ge [sflag:s4], $0x0  }
0x19: {  	s7 =	sld [smem:$0x3F9B]  }
0x1a: {  	s8 =	sadd.s32 $0xFFFFE003, lr  }
0x1b: {  	s9 =	sadd.s32 $0xFFFFFEF7, lr;
	s5 =	simm.s32 $0xFFFFFFFF;
	p2 =	slt.u32 s8, $0xFFFFF086  }
0x1c: {  	p1 =	slt.u32 s9, $0xF7A;
	s5 =	simm.s32 @!p2 $0x0  }
0x1d: {  	s5 =	simm.s32 @p1 $0x1;
	p0 =	seq.s32 s7, s2  }
0x1e: {  	s7 =	smul.u32 @!p0 $0xF7A, s2;
	p2 =	seq.s32 @!p0 s5, $0x0  }
0x1f: {  	s9 =	smul.u32 $0xF7A, s1;
	s8 =	simm.s32 @!p0 $0x1BF5;
	p2 =	por !p2, p0  }
0x20: {  	[sflag:s8] =	ssyncset.s32 @!p0 $0xFFFFF086;
	s6 =	sadd.s32 @!p0 s3, s7;
	s7 =	simm.s32 @!p0 $0x108  }
0x21: {  	s3 =	sadd.s32 s3, s9;
	s6 =	sadd.s32 @!p0 $0x88, s6;
	s7 =	simm.s32 @p2 $0x1082  }
0x22: {  	[simem:s7], [sflag:s8] =	dma.local @!p0 [hbm:s6], $0xF7A  }
0x23: {  	s9 =	sor.u32 $0xD0000000, s2;
	s6 =	simm.s32 $0x108;
	_ =	swait.ge @!p0 [sflag:s8], $0x0  }
0x24: {  	s3 =	sadd.s32 $0x88, s3;
	s6 =	simm.s32 @!p1 $0x1082;
	[sflag:s4] =	ssyncset.s32 $0xFFFFF086  }
0x25: {  	[simem:s6], [sflag:s4] =	dma.local [hbm:s3], $0xF7A  }
0x26: {  	[smem:$0x3F9B] =	sst s1;
	(tag) =	ssettag s2;
	_ =	strace s9  }
0x27: {  	s1 =	sld [smem:$0x3FAB]  }
0x28: {  	s2 =	sld [smem:$0x3FAC]  }
0x29: {  	s4 =	sld [smem:$0x3FAE]  }
0x2a: {  	p0 =	seq.s32 s5, $0x0;
	s5 =	sld [smem:$0x3FAF]  }
0x2b: {  	s6 =	sld [smem:$0x3FB0]  }
0x2c: {  	s7 =	sld [smem:$0x3FB1]  }
0x2d: {  	s3 =	simm.s32 $0x108;
	s8 =	sld [smem:$0x3FB2]  }
0x2e: {  	s3 =	simm.s32 @!p0 $0x1082;
	s9 =	sld [smem:$0x3FB3]  }
0x2f: {  	lr =	sadd.s32 s0, s3;
	s0 =	sld [smem:$0x3FAA]  }
0x30: {  	s3 =	sld [smem:$0x3FAD]  }
0x31: {  	[smem:$0x3FB6] =	sst s10  }
0x32: {  	s10 =	sld [smem:$0x3FB4];
	_ =	sdelay $0x3  }
0x33: {  	p0 =	seq.s32 s10, $0x1;
	s10 =	sld [smem:$0x3FB6];
	_ =	sdelay $0x3  }
0x34: {  	[smem:$0x3FB6] =	sst s10  }
0x35: {  	s10 =	sld [smem:$0x3FB5];
	_ =	sdelay $0x3  }
0x36: {  	p1 =	seq.s32 s10, $0x1;
	s10 =	sld [smem:$0x3FB6];
	_ =	sdelay $0x3  }
0x37: {  	[smem:$0x3FB6] =	sst s10  }
0x38: {  	s10 =	sld [smem:$0x3FB7]  }
0x39: {  	_ = 	snop;
	(pc) =	sbr.ind lr, $3  }
0x3a: {  	_ = 	snop  }
0x3b: {  	_ = 	snop  }
0x3c: {  	p2 =	seq.s32 s10, $0x1;
	s10 =	sld [smem:$0x3FB6]  }
0x3d: {  	_ =	shalt  }
0x3e: {  	_ =	shalt  }
0x3f: {  	_ =	shalt  }
0x40: {  	_ =	shalt  }
0x41: {  	_ =	shalt  }
0x42: {  	_ =	shalt  }
0x43: {  	_ =	shalt  }
0x44: {  	_ =	shalt  }
0x45: {  	_ =	shalt  }
0x46: {  	_ =	shalt  }
0x47: {  	_ =	shalt  }
0x48: {  	_ =	shalt  }
0x49: {  	_ =	shalt  }
0x4a: {  	_ =	shalt  }
0x4b: {  	_ =	shalt  }
0x4c: {  	_ =	shalt  }
0x4d: {  	_ =	shalt  }
0x4e: {  	_ =	shalt  }
0x4f: {  	_ =	shalt  }
0x50: {  	_ =	shalt  }
0x51: {  	_ =	shalt  }
0x52: {  	_ =	shalt  }
0x53: {  	_ =	shalt  }
0x54: {  	_ =	shalt  }
0x55: {  	_ =	shalt  }
0x56: {  	_ =	shalt  }
0x57: {  	_ =	shalt  }
0x58: {  	_ =	shalt  }
0x59: {  	_ =	shalt  }
0x5a: {  	_ =	shalt  }
0x5b: {  	_ =	shalt  }
0x5c: {  	_ =	shalt  }
0x5d: {  	_ =	shalt  }
0x5e: {  	_ =	shalt  }
0x5f: {  	_ =	shalt  }
0x60: {  	_ =	shalt  }
0x61: {  	_ =	shalt  }
0x62: {  	_ =	shalt  }
0x63: {  	_ =	shalt  }
0x64: {  	_ =	shalt  }
0x65: {  	_ =	shalt  }
0x66: {  	_ =	shalt  }
0x67: {  	_ =	shalt  }
0x68: {  	_ =	shalt  }
0x69: {  	_ =	shalt  }
0x6a: {  	_ =	shalt  }
0x6b: {  	_ =	shalt  }
0x6c: {  	_ =	shalt  }
0x6d: {  	_ =	shalt  }
0x6e: {  	_ =	shalt  }
0x6f: {  	_ =	shalt  }
0x70: {  	_ =	shalt  }
0x71: {  	_ =	shalt  }
0x72: {  	_ =	shalt  }
0x73: {  	_ =	shalt  }
0x74: {  	_ =	shalt  }
0x75: {  	_ =	shalt  }
0x76: {  	_ =	shalt  }
0x77: {  	_ =	shalt  }
0x78: {  	_ =	shalt  }
0x79: {  	_ =	shalt  }
0x7a: {  	_ =	shalt  }
0x7b: {  	_ =	shalt  }
0x7c: {  	_ =	shalt  }
0x7d: {  	_ =	shalt  }
0x7e: {  	_ =	shalt  }
0x7f: {  	_ =	shalt  }
0x80: {  	_ =	shalt  }
0x81: {  	_ =	shalt  }
0x82: {  	_ =	shalt  }
0x83: {  	_ =	shalt  }
0x84: {  	_ =	shalt  }
0x85: {  	_ =	shalt  }
0x86: {  	_ =	shalt  }
0x87: {  	_ =	shalt  }
.Lfunc_end0:
.L_simem_size_0:
called_computation_lowered:
.L_overlay_start_0:
0x88: {  	s2 =	sld [smem:$0x3FD9]  }
0x89: {  	s3 =	sld [smem:$0x3FFE];
	_ =	sdelay $0x1  }
0x8a: {  	s1 =	srdreg.scid  }
0x8b: {  	s0 =	sand.u32 $0x1, s1  }
0x8c: {  	s14 =	sshll.u32 s0, $0xA;
	s2 =	sadd.s32 s3, s2  }
0x8d: {  	s2 =	sadd.s32 s2, s14  }
0x8e: {  	[smem:$0x3FC2] =	sst s2  }
0x8f: {  	_ = 	snop  }
0x90: {  	s2 =	sld [smem:$0x3FD0];
	_ =	sdelay $0x2  }
0x91: {  	s15 =	simm.s32 $0xA;
	s4 =	simm.s32 $0x10  }
0x92: {  	[smem:s4], [sflag:s15] =	dma.local [hbm:s2], $0x1  }
0x93: {  	_ =	swait.eq [sflag:s15], $0x1  }
0x94: {  	[sflag:s15] =	ssyncset.done $0x0  }
0x95: {  	[sflag:s15] =	ssyncadd.s32 $0xFFFFFFFF  }
0x96: {  	s16 =	sld [smem:$0x10];
	(tm) =	ssettm $0x1  }
0x97: {  	s17 =	sld [smem:$0x3FFB];
	_ =	sdelay $0x3  }
0x98: {  	_ =	strace s17  }
0x99: {  	s3 =	sld [smem:$0x3FFC];
	_ =	sdelay $0x3  }
0x9a: {  	_ =	strace s3  }
0x9b: {  	s3 =	sld [smem:$0x3FFD];
	_ =	sdelay $0x3  }
0x9c: {  	_ =	strace s3  }
0x9d: {  	_ =	strace $0x8FFFFFFF  }
0x9e: {  	s18 =	sld [smem:$0x3FDB];
	_ =	sdelay $0x1  }
0x9f: {  	s19 =	simm.s32 $_scs_section_size  }
0xa0: {  	s5 =	simm.s32 $_size__tile_overlayer_lowered;
	s6 =	simm.s32 $_tile_overlayer_lowered  }
0xa1: {  	s22 =	simm.s32 $0x1BFF;
	s21 =	sshll.u32 s6, $0x1;
	s3 =	sadd.s32 s19, s18  }
0xa2: {  	s7 =	simm.s32 $0x0;
	s20 =	sshll.u32 s5, $0x1;
	s5 =	sadd.s32 s21, s3  }
0xa3: {  	[timem:s7], [sflag:s22] =	dma.local [hbm:s5], s20  }
0xa4: {  	_ =	swait.ge [sflag:s22], s20  }
0xa5: {  	s4 =	ssub.s32 $0x0, s20;
	[sflag:s22] =	ssyncset.done $0x0  }
0xa6: {  	[sflag:s22] =	ssyncadd.s32 s4;
	_ =	sdelay $0x1  }
0xa7: {  	s23 =	simm.s32 $0x1B8B  }
0xa8: {  	_ =	swait.ge [sflag:s23], $0x1  }
0xa9: {  	[sflag:s23] =	ssyncset.done $0x0  }
0xaa: {  	s25 =	simm.s32 $0x1B8E;
	s24 =	sld [smem:$0x3FFE];
	[sflag:s23] =	ssyncadd.s32 $0xFFFFFFFF  }
0xab: {  	s26 =	simm.s32 $execute0_lowered;
	[smem:$0x3FD2] =	sst s25  }
0xac: {  	s5 =	sshll.u32 s26, $0x1;
	_ =	strace $0x80000046;
	[dreg:$0x1] =	wrdreg $0xFFFFFFFF  }
0xad: {  	s28 =	simm.s32 $_size_execute0_lowered;
	s3 =	sadd.s32 s3, s5;
	[dreg:$0x0] =	wrdreg $0x0  }
0xae: {  	s5 =	sshll.u32 s28, $0x1;
	[dreg:$0x2] =	wrdreg s3  }
0xaf: {  	[dreg:$0x3] =	wrdreg s5  }
0xb0: {  	[dreg:$0x4] =	wrdreg $0xC0  }
0xb1: {  	_ =	task [dreg:s7], $0x5FFFF  }
0xb2: {  	[dreg:$0x1] =	wrdreg $0xFFFFFFFF  }
0xb3: {  	[dreg:$0x0] =	wrdreg $0x60  }
0xb4: {  	[dreg:$0x2] =	wrdreg s24  }
0xb5: {  	[dreg:$0x3] =	wrdreg s16  }
0xb6: {  	[dreg:$0x4] =	wrdreg $0x9  }
0xb7: {  	_ =	task.clear_ibuf [dreg:s7], $0x5FFFF;
	_ =	strace $0x90000046  }
0xb8: {  	s29 =	simm.s32 $0x9;
	_ =	strace $0x80000048  }
0xb9: {  	_ =	swait.ge [sflag:s29], $0x1  }
0xba: {  	[sflag:s29] =	ssyncadd.s32 $0xFFFFFFFF  }
0xbb: {  	_ =	strace $0x90000048  }
0xbc: {  	_ =	sfence  }
0xbd: {  	s30 =	sld [smem:$0x0];
	_ =	sdelay $0x2  }
0xbe: {  	s31 =	sshll.u32 s1, $0xD;
	s1 =	sshrl.u32 s1, $0x2  }
0xbf: {  	s3 =	sand.u32 $0x4000, s31;
	s1 =	sadd.s32 s1, s30  }
0xc0: {  	s0 =	sor.u32 s3, s0;
	s1 =	sshll.u32 s1, $0x11  }
0xc1: {  	s0 =	sor.u32 s1, s0  }
0xc2: {  	s0 =	sadd.s32 $0x8F2B, s0  }
0xc3: {  	[sflag:s0] =	ssyncadd.remote.s32 $0x1  }
0xc4: {  	_ =	sfence.sel $0xFFFF  }
0xc5: {  	[dreg:$0x0] =	wrdreg $0xFFFFFFFF;
	(pc) =	sbr.abs _section_cstart, $3  }
0xc6: {  	[dreg:$0x1] =	wrdreg $0xFFFFFFFF  }
0xc7: {  	_ =	task.clear_ibuf [dreg:s7], $0x2FFFF;
	_ =	strace $0x9FFFFFFF  }
0xc8: {  	(tm) =	ssettm $0x7FFFFFFF  }
0xc9: {  	_ =	shalt  }
tec
execute0_lowered:
.L_overlay_start_1:
0x0: {  	(tag) =	ssettag $0x1  }
0x1: {  	s0 =	srdreg.scid;
	s1 =	rddreg [dreg:$0x0]  }
0x2: {  	s2 =	stileid.u32;
	s4 =	rddreg [dreg:$0x1];
	s26 =	simm.s32 $0x80  }
0x3: {  	s9 =	simm.s32 $0x3100;
	s10 =	simm.s32 $0x6100;
	s11 =	simm.s32 $0x9100  }
0x4: {  	s12 =	simm.s32 $0x1;
	s20 =	simm.s32 $0x2;
	s29 =	simm.s32 $0x3  }
0x5: {  	s15 =	simm.s32 $0x4;
	s16 =	simm.s32 $0x5;
	s19 =	simm.s32 $0xA500  }
0x6: {  	s28 =	simm.s32 $0x8;
	s30 =	simm.s32 $0x9;
	s31 =	simm.s32 $0xA  }
0x7: {  	s0 =	sand.u32 $0x1, s0;
	s3 =	sshll.u32 s2, $0x5;
	s2 =	simm.s32 $0x0  }
0x8: {  	s5 =	sshll.u32 s0, $0x4;
	[smem:$0x7FF] =	sst s2;
	s0 =	ssub.s32 $0x2, s0  }
0x9: {  	s3 =	sor.u32 s5, s3;
	_ =	strace $0x80000047;
	s24 =	sshrl.u32 s0, $0x1  }
0xa: {  	[dreg:$0x8] =	wrdreg s26;
	s26 =	simm.s32 $0x7;
	s6 =	smul.u32 $0x180, s3  }
0xb: {  	s5 =	sadd.s32 s3, s1;
	s8 =	smul.u32 $0xC00, s3;
	s3 =	sadd.s32 $0x1600, s1  }
0xc: {  	s0 =	ssub.s32 s0, s24;
	s24 =	simm.s32 $0xBD00;
	s7 =	sadd.s32 $0x1400, s5  }
0xd: {  	s5 =	sadd.s32 $0x1200, s5;
	[dreg:$0x3] =	wrdreg s7;
	s21 =	sadd.s32 s4, s6  }
0xe: {  	s22 =	sshrl.u32 s8, $0x3;
	[dreg:$0x4] =	wrdreg s5;
	s5 =	sadd.s32 $0x1700, s1  }
0xf: {  	s6 =	smax.u32 s0, $0x1;
	s7 =	simm.s32 $0xB;
	s8 =	simm.s32 $0x100  }
0x10: {  	[dreg:$0x9] =	wrdreg s21;
	s23 =	sadd.s32 $0x600, s21;
	s4 =	sadd.s32 s4, s22  }
0x11: {  	v2 =	vlaneseq.u32;
	s21 =	simm.s32 $0xA900;
	[dreg:$0x5] =	wrdreg s23;
	s25 =	sadd.s32 $0xC00, s4  }
0x12: {  	vm0 =	vmmov $0xffff;
	vm1 =	vmmov $0xff;
	v1 =	vshrl.u32 v2, $0x3;
	s22 =	simm.s32 $0xB100;
	s4 =	sadd.s32 $0x1200, s4;
	[dreg:$0x6] =	wrdreg s25  }
0x13: {  	v0 =	vand.u32 $0x7, v2;
	v2 =	vor.u32 $0x8, v2;
	v1 =	vmul.u32 $0x8, v1;
	s23 =	simm.s32 $0xB500;
	[dreg:$0x7] =	wrdreg s4;
	s25 =	simm.s32 $0x6  }
.LBB2_1:
0x14: {  	s1 =	rddreg [dreg:$0x3]  }
0x15: {  	[tilespmem:s2], [sflag:$0xB] =	stream.linear.gather [hbm4b:s1+s2], $0x80, $0x38;
	[tilespmem:$0xC100] =	vst v63  }
0x16: {  	_ =	swait.ge [sflag:s7], $0x80  }
0x17: {  	s17 =	rddreg [dreg:$0x4];
	[sflag:s7] =	ssyncset.done $0x0  }
0x18: {  	s0 =	rddreg [dreg:$0x8];
	[sflag:s7] =	ssyncadd.s32 $0xFFFFFF80  }
0x19: {  	[tilespmem:s0], [sflag:$0xB] =	stream.linear.gather [hbm4b:s17+s2], $0x80, $0x38;
	[tilespmem:$0xC100] =	vst v63  }
0x1a: {  	_ =	swait.ge [sflag:s7], $0x80  }
0x1b: {  	[sflag:s7] =	ssyncset.done $0x0  }
0x1c: {  	s4 =	rddreg [dreg:$0x9];
	[sflag:s7] =	ssyncadd.s32 $0xFFFFFF80  }
0x1d: {  	[tilespmem:s8], [sflag:$0x1] =	stream.linear.gather [hbm4b:s4+s2], $0x3000, $0x38;
	[tilespmem:$0xC100] =	vst v63  }
0x1e: {  	s18 =	rddreg [dreg:$0x5]  }
0x1f: {  	[tilespmem:s9], [sflag:$0x2] =	stream.linear.gather [hbm4b:s18+s2], $0x3000, $0x38;
	[tilespmem:$0xC100] =	vst v63  }
0x20: {  	s13 =	rddreg [dreg:$0x6]  }
0x21: {  	[tilespmem:s10], [sflag:$0x3] =	stream.linear.gather [hbm4b:s13+s2], $0x3000, $0x38;
	[tilespmem:$0xC100] =	vst v63  }
0x22: {  	s14 =	rddreg [dreg:$0x7]  }
0x23: {  	[tilespmem:s11], [sflag:$0x4] =	stream.linear.gather [hbm4b:s14+s2], $0x3000, $0x38;
	[tilespmem:$0xC100] =	vst v63  }
0x24: {  	_ =	swait.ge [sflag:s12], $0x3000  }
0x25: {  	[sflag:s12] =	ssyncset.done $0x0  }
0x26: {  	[sflag:s12] =	ssyncadd.s32 $0xFFFFD000  }
0x27: {  	v3 =	vld [tilespmem:$0x0];
	_ =	sdelay $0x4  }
0x28: {  	v4 =	vshrl.u32 v3, $0x3  }
0x29: {  	v4 =	vmul.u32 $0x18, v4  }
0x2a: {  	v3 =	vand.u32 $0x7, v3  }
0x2b: {  	v3 =	vor.u32 v3, v4  }
0x2c: {  	v4 =	vperm.xlane v3, v0;
	_ =	sdelay $0x1  }
0x2d: {  	v4 =	vadd.s32 v1, v4;
	_ =	sdelay $0x1  }
0x2e: {  	v3 =	vperm.xlane v3, v2;
	_ =	sdelay $0x1  }
0x2f: {  	v3 =	vadd.s32 v1, v3  }
0x30: {  	[hbm4b:s3+s2] =	stream.indirect_vreg.scatter [tilespmem:s8], [sflag:$0x5], $0x80, v4, vm0, $0xb8;
	[tilespmem:$0xC100] =	vst v63  }
0x31: {  	s0 =	simm.s32 $0x900  }
0x32: {  	[hbm4b:s5+s2] =	stream.indirect_vreg.scatter [tilespmem:s0], [sflag:$0x5], $0x80, v4, vm1, $0xb8;
	[tilespmem:$0xC100] =	vst v63  }
0x33: {  	s1 =	simm.s32 $0xD00  }
0x34: {  	[hbm4b:s3+s2] =	stream.indirect_vreg.scatter [tilespmem:s1], [sflag:$0x5], $0x80, v3, vm0, $0xb8;
	[tilespmem:$0xC100] =	vst v63  }
0x35: {  	s4 =	simm.s32 $0x1500  }
0x36: {  	[hbm4b:s5+s2] =	stream.indirect_vreg.scatter [tilespmem:s4], [sflag:$0x5], $0x80, v3, vm1, $0xb8;
	[tilespmem:$0xC100] =	vst v63  }
0x37: {  	v3 =	vld [tilespmem:$0x10];
	_ =	sdelay $0x4  }
0x38: {  	v49 =	vshrl.u32 v3, $0x3  }
0x39: {  	v4 =	vmul.u32 $0x18, v49  }
0x3a: {  	v3 =	vand.u32 $0x7, v3  }
0x3b: {  	v3 =	vor.u32 v3, v4  }
0x3c: {  	v4 =	vperm.xlane v3, v0;
	_ =	sdelay $0x1  }
0x3d: {  	v4 =	vadd.s32 v1, v4;
	_ =	sdelay $0x1  }
0x3e: {  	v3 =	vperm.xlane v3, v2;
	_ =	sdelay $0x1  }
0x3f: {  	s13 =	simm.s32 $0x1900;
	v3 =	vadd.s32 v1, v3  }
0x40: {  	[hbm4b:s3+s2] =	stream.indirect_vreg.scatter [tilespmem:s13], [sflag:$0x5], $0x80, v4, vm0, $0xb8;
	[tilespmem:$0xC100] =	vst v63  }
0x41: {  	s14 =	simm.s32 $0x2100  }
0x42: {  	[hbm4b:s5+s2] =	stream.indirect_vreg.scatter [tilespmem:s14], [sflag:$0x5], $0x80, v4, vm1, $0xb8;
	[tilespmem:$0xC100] =	vst v63  }
0x43: {  	s17 =	simm.s32 $0x2500  }
0x44: {  	[hbm4b:s3+s2] =	stream.indirect_vreg.scatter [tilespmem:s17], [sflag:$0x5], $0x80, v3, vm0, $0xb8;
	[tilespmem:$0xC100] =	vst v63  }
0x45: {  	s18 =	simm.s32 $0x2D00  }
0x46: {  	[hbm4b:s5+s2] =	stream.indirect_vreg.scatter [tilespmem:s18], [sflag:$0x5], $0x80, v3, vm1, $0xb8;
	[tilespmem:$0xC100] =	vst v63  }
0x47: {  	v3 =	vld [tilespmem:$0x80];
	_ =	sdelay $0x4  }
0x48: {  	v50 =	vshrl.u32 v3, $0x3  }
0x49: {  	v4 =	vmul.u32 $0x18, v50  }
0x4a: {  	v3 =	vand.u32 $0x7, v3  }
0x4b: {  	v3 =	vor.u32 v3, v4  }
0x4c: {  	v4 =	vperm.xlane v3, v0;
	_ =	sdelay $0x1  }
0x4d: {  	v4 =	vadd.s32 v1, v4;
	_ =	sdelay $0x1  }
0x4e: {  	v3 =	vperm.xlane v3, v2;
	_ =	sdelay $0x1  }
0x4f: {  	v3 =	vadd.s32 v1, v3  }
0x50: {  	[hbm4b:s3+s2] =	stream.indirect_vreg.scatter [tilespmem:s8], [sflag:$0x6], $0x80, v4, vm0, $0xb8;
	[tilespmem:$0xC100] =	vst v63  }
0x51: {  	_ = 	snop  }
0x52: {  	[hbm4b:s5+s2] =	stream.indirect_vreg.scatter [tilespmem:s0], [sflag:$0x6], $0x80, v4, vm1, $0xb8;
	[tilespmem:$0xC100] =	vst v63  }
0x53: {  	_ = 	snop  }
0x54: {  	[hbm4b:s3+s2] =	stream.indirect_vreg.scatter [tilespmem:s1], [sflag:$0x6], $0x80, v3, vm0, $0xb8;
	[tilespmem:$0xC100] =	vst v63  }
0x55: {  	_ = 	snop  }
0x56: {  	[hbm4b:s5+s2] =	stream.indirect_vreg.scatter [tilespmem:s4], [sflag:$0x6], $0x80, v3, vm1, $0xb8;
	[tilespmem:$0xC100] =	vst v63  }
0x57: {  	v3 =	vld [tilespmem:$0x90];
	_ =	sdelay $0x4  }
0x58: {  	v51 =	vshrl.u32 v3, $0x3  }
0x59: {  	v4 =	vmul.u32 $0x18, v51  }
0x5a: {  	v3 =	vand.u32 $0x7, v3  }
0x5b: {  	v3 =	vor.u32 v3, v4  }
0x5c: {  	v4 =	vperm.xlane v3, v0;
	_ =	sdelay $0x1  }
0x5d: {  	v4 =	vadd.s32 v1, v4;
	_ =	sdelay $0x1  }
0x5e: {  	v3 =	vperm.xlane v3, v2;
	_ =	sdelay $0x1  }
0x5f: {  	v3 =	vadd.s32 v1, v3  }
0x60: {  	[hbm4b:s3+s2] =	stream.indirect_vreg.scatter [tilespmem:s13], [sflag:$0x6], $0x80, v4, vm0, $0xb8;
	[tilespmem:$0xC100] =	vst v63  }
0x61: {  	_ = 	snop  }
0x62: {  	[hbm4b:s5+s2] =	stream.indirect_vreg.scatter [tilespmem:s14], [sflag:$0x6], $0x80, v4, vm1, $0xb8;
	[tilespmem:$0xC100] =	vst v63  }
0x63: {  	_ = 	snop  }
0x64: {  	[hbm4b:s3+s2] =	stream.indirect_vreg.scatter [tilespmem:s17], [sflag:$0x6], $0x80, v3, vm0, $0xb8;
	[tilespmem:$0xC100] =	vst v63  }
0x65: {  	_ = 	snop  }
0x66: {  	[hbm4b:s5+s2] =	stream.indirect_vreg.scatter [tilespmem:s18], [sflag:$0x6], $0x80, v3, vm1, $0xb8;
	[tilespmem:$0xC100] =	vst v63  }
0x67: {  	_ =	swait.ge [sflag:s20], $0x3000  }
0x68: {  	[sflag:s20] =	ssyncset.done $0x0  }
0x69: {  	[sflag:s20] =	ssyncadd.s32 $0xFFFFD000  }
0x6a: {  	v3 =	vld [tilespmem:$0x20];
	_ =	sdelay $0x4  }
0x6b: {  	v52 =	vshrl.u32 v3, $0x3  }
0x6c: {  	v4 =	vmul.u32 $0x18, v52  }
0x6d: {  	v3 =	vand.u32 $0x7, v3  }
0x6e: {  	v3 =	vor.u32 v3, v4  }
0x6f: {  	v4 =	vperm.xlane v3, v0;
	_ =	sdelay $0x1  }
0x70: {  	v4 =	vadd.s32 v1, v4;
	_ =	sdelay $0x1  }
0x71: {  	v3 =	vperm.xlane v3, v2;
	_ =	sdelay $0x1  }
0x72: {  	v3 =	vadd.s32 v1, v3  }
0x73: {  	[hbm4b:s3+s2] =	stream.indirect_vreg.scatter [tilespmem:s9], [sflag:$0x7], $0x80, v4, vm0, $0xb8;
	[tilespmem:$0xC100] =	vst v63  }
0x74: {  	s0 =	simm.s32 $0x3900  }
0x75: {  	[hbm4b:s5+s2] =	stream.indirect_vreg.scatter [tilespmem:s0], [sflag:$0x7], $0x80, v4, vm1, $0xb8;
	[tilespmem:$0xC100] =	vst v63  }
0x76: {  	s1 =	simm.s32 $0x3D00  }
0x77: {  	[hbm4b:s3+s2] =	stream.indirect_vreg.scatter [tilespmem:s1], [sflag:$0x7], $0x80, v3, vm0, $0xb8;
	[tilespmem:$0xC100] =	vst v63  }
0x78: {  	s4 =	simm.s32 $0x4500  }
0x79: {  	[hbm4b:s5+s2] =	stream.indirect_vreg.scatter [tilespmem:s4], [sflag:$0x7], $0x80, v3, vm1, $0xb8;
	[tilespmem:$0xC100] =	vst v63  }
0x7a: {  	v3 =	vld [tilespmem:$0x30];
	_ =	sdelay $0x4  }
0x7b: {  	v53 =	vshrl.u32 v3, $0x3  }
0x7c: {  	v4 =	vmul.u32 $0x18, v53  }
0x7d: {  	v3 =	vand.u32 $0x7, v3  }
0x7e: {  	v3 =	vor.u32 v3, v4  }
0x7f: {  	v4 =	vperm.xlane v3, v0;
	_ =	sdelay $0x1  }
0x80: {  	v4 =	vadd.s32 v1, v4;
	_ =	sdelay $0x1  }
0x81: {  	v3 =	vperm.xlane v3, v2;
	_ =	sdelay $0x1  }
0x82: {  	s13 =	simm.s32 $0x4900;
	v3 =	vadd.s32 v1, v3  }
0x83: {  	[hbm4b:s3+s2] =	stream.indirect_vreg.scatter [tilespmem:s13], [sflag:$0x7], $0x80, v4, vm0, $0xb8;
	[tilespmem:$0xC100] =	vst v63  }
0x84: {  	s14 =	simm.s32 $0x5100  }
0x85: {  	[hbm4b:s5+s2] =	stream.indirect_vreg.scatter [tilespmem:s14], [sflag:$0x7], $0x80, v4, vm1, $0xb8;
	[tilespmem:$0xC100] =	vst v63  }
0x86: {  	s17 =	simm.s32 $0x5500  }
0x87: {  	[hbm4b:s3+s2] =	stream.indirect_vreg.scatter [tilespmem:s17], [sflag:$0x7], $0x80, v3, vm0, $0xb8;
	[tilespmem:$0xC100] =	vst v63  }
0x88: {  	s18 =	simm.s32 $0x5D00  }
0x89: {  	[hbm4b:s5+s2] =	stream.indirect_vreg.scatter [tilespmem:s18], [sflag:$0x7], $0x80, v3, vm1, $0xb8;
	[tilespmem:$0xC100] =	vst v63  }
0x8a: {  	v3 =	vld [tilespmem:$0xA0];
	_ =	sdelay $0x4  }
0x8b: {  	v54 =	vshrl.u32 v3, $0x3  }
0x8c: {  	v4 =	vmul.u32 $0x18, v54  }
0x8d: {  	v3 =	vand.u32 $0x7, v3  }
0x8e: {  	v3 =	vor.u32 v3, v4  }
0x8f: {  	v4 =	vperm.xlane v3, v0;
	_ =	sdelay $0x1  }
0x90: {  	v4 =	vadd.s32 v1, v4;
	_ =	sdelay $0x1  }
0x91: {  	v3 =	vperm.xlane v3, v2;
	_ =	sdelay $0x1  }
0x92: {  	v3 =	vadd.s32 v1, v3  }
0x93: {  	[hbm4b:s3+s2] =	stream.indirect_vreg.scatter [tilespmem:s9], [sflag:$0x8], $0x80, v4, vm0, $0xb8;
	[tilespmem:$0xC100] =	vst v63  }
0x94: {  	_ = 	snop  }
0x95: {  	[hbm4b:s5+s2] =	stream.indirect_vreg.scatter [tilespmem:s0], [sflag:$0x8], $0x80, v4, vm1, $0xb8;
	[tilespmem:$0xC100] =	vst v63  }
0x96: {  	_ = 	snop  }
0x97: {  	[hbm4b:s3+s2] =	stream.indirect_vreg.scatter [tilespmem:s1], [sflag:$0x8], $0x80, v3, vm0, $0xb8;
	[tilespmem:$0xC100] =	vst v63  }
0x98: {  	_ = 	snop  }
0x99: {  	[hbm4b:s5+s2] =	stream.indirect_vreg.scatter [tilespmem:s4], [sflag:$0x8], $0x80, v3, vm1, $0xb8;
	[tilespmem:$0xC100] =	vst v63  }
0x9a: {  	v3 =	vld [tilespmem:$0xB0];
	_ =	sdelay $0x4  }
0x9b: {  	v55 =	vshrl.u32 v3, $0x3  }
0x9c: {  	v4 =	vmul.u32 $0x18, v55  }
0x9d: {  	v3 =	vand.u32 $0x7, v3  }
0x9e: {  	v3 =	vor.u32 v3, v4  }
0x9f: {  	v4 =	vperm.xlane v3, v0;
	_ =	sdelay $0x1  }
0xa0: {  	v4 =	vadd.s32 v1, v4;
	_ =	sdelay $0x1  }
0xa1: {  	v3 =	vperm.xlane v3, v2;
	_ =	sdelay $0x1  }
0xa2: {  	v3 =	vadd.s32 v1, v3  }
0xa3: {  	[hbm4b:s3+s2] =	stream.indirect_vreg.scatter [tilespmem:s13], [sflag:$0x8], $0x80, v4, vm0, $0xb8;
	[tilespmem:$0xC100] =	vst v63  }
0xa4: {  	_ = 	snop  }
0xa5: {  	[hbm4b:s5+s2] =	stream.indirect_vreg.scatter [tilespmem:s14], [sflag:$0x8], $0x80, v4, vm1, $0xb8;
	[tilespmem:$0xC100] =	vst v63  }
0xa6: {  	_ = 	snop  }
0xa7: {  	[hbm4b:s3+s2] =	stream.indirect_vreg.scatter [tilespmem:s17], [sflag:$0x8], $0x80, v3, vm0, $0xb8;
	[tilespmem:$0xC100] =	vst v63  }
0xa8: {  	_ = 	snop  }
0xa9: {  	[hbm4b:s5+s2] =	stream.indirect_vreg.scatter [tilespmem:s18], [sflag:$0x8], $0x80, v3, vm1, $0xb8;
	[tilespmem:$0xC100] =	vst v63  }
0xaa: {  	_ =	swait.ge [sflag:s29], $0x3000  }
0xab: {  	[sflag:s29] =	ssyncset.done $0x0  }
0xac: {  	[sflag:s29] =	ssyncadd.s32 $0xFFFFD000  }
0xad: {  	v3 =	vld [tilespmem:$0x40];
	_ =	sdelay $0x4  }
0xae: {  	v56 =	vshrl.u32 v3, $0x3  }
0xaf: {  	v4 =	vmul.u32 $0x18, v56  }
0xb0: {  	v3 =	vand.u32 $0x7, v3  }
0xb1: {  	v3 =	vor.u32 v3, v4  }
0xb2: {  	v4 =	vperm.xlane v3, v0;
	_ =	sdelay $0x1  }
0xb3: {  	v4 =	vadd.s32 v1, v4;
	_ =	sdelay $0x1  }
0xb4: {  	v3 =	vperm.xlane v3, v2;
	_ =	sdelay $0x1  }
0xb5: {  	v3 =	vadd.s32 v1, v3  }
0xb6: {  	[hbm4b:s3+s2] =	stream.indirect_vreg.scatter [tilespmem:s10], [sflag:$0x9], $0x80, v4, vm0, $0xb8;
	[tilespmem:$0xC100] =	vst v63  }
0xb7: {  	s0 =	simm.s32 $0x6900  }
0xb8: {  	[hbm4b:s5+s2] =	stream.indirect_vreg.scatter [tilespmem:s0], [sflag:$0x9], $0x80, v4, vm1, $0xb8;
	[tilespmem:$0xC100] =	vst v63  }
0xb9: {  	s1 =	simm.s32 $0x6D00  }
0xba: {  	[hbm4b:s3+s2] =	stream.indirect_vreg.scatter [tilespmem:s1], [sflag:$0x9], $0x80, v3, vm0, $0xb8;
	[tilespmem:$0xC100] =	vst v63  }
0xbb: {  	s4 =	simm.s32 $0x7500  }
0xbc: {  	[hbm4b:s5+s2] =	stream.indirect_vreg.scatter [tilespmem:s4], [sflag:$0x9], $0x80, v3, vm1, $0xb8;
	[tilespmem:$0xC100] =	vst v63  }
0xbd: {  	v3 =	vld [tilespmem:$0x50];
	_ =	sdelay $0x4  }
0xbe: {  	v57 =	vshrl.u32 v3, $0x3  }
0xbf: {  	v4 =	vmul.u32 $0x18, v57  }
0xc0: {  	v3 =	vand.u32 $0x7, v3  }
0xc1: {  	v3 =	vor.u32 v3, v4  }
0xc2: {  	v4 =	vperm.xlane v3, v0;
	_ =	sdelay $0x1  }
0xc3: {  	v4 =	vadd.s32 v1, v4;
	_ =	sdelay $0x1  }
0xc4: {  	v3 =	vperm.xlane v3, v2;
	_ =	sdelay $0x1  }
0xc5: {  	s13 =	simm.s32 $0x7900;
	v3 =	vadd.s32 v1, v3  }
0xc6: {  	[hbm4b:s3+s2] =	stream.indirect_vreg.scatter [tilespmem:s13], [sflag:$0x9], $0x80, v4, vm0, $0xb8;
	[tilespmem:$0xC100] =	vst v63  }
0xc7: {  	s14 =	simm.s32 $0x8100  }
0xc8: {  	[hbm4b:s5+s2] =	stream.indirect_vreg.scatter [tilespmem:s14], [sflag:$0x9], $0x80, v4, vm1, $0xb8;
	[tilespmem:$0xC100] =	vst v63  }
0xc9: {  	s17 =	simm.s32 $0x8500  }
0xca: {  	[hbm4b:s3+s2] =	stream.indirect_vreg.scatter [tilespmem:s17], [sflag:$0x9], $0x80, v3, vm0, $0xb8;
	[tilespmem:$0xC100] =	vst v63  }
0xcb: {  	s18 =	simm.s32 $0x8D00  }
0xcc: {  	[hbm4b:s5+s2] =	stream.indirect_vreg.scatter [tilespmem:s18], [sflag:$0x9], $0x80, v3, vm1, $0xb8;
	[tilespmem:$0xC100] =	vst v63  }
0xcd: {  	v3 =	vld [tilespmem:$0xC0];
	_ =	sdelay $0x4  }
0xce: {  	v58 =	vshrl.u32 v3, $0x3  }
0xcf: {  	v4 =	vmul.u32 $0x18, v58  }
0xd0: {  	v3 =	vand.u32 $0x7, v3  }
0xd1: {  	v3 =	vor.u32 v3, v4  }
0xd2: {  	v4 =	vperm.xlane v3, v0;
	_ =	sdelay $0x1  }
0xd3: {  	v4 =	vadd.s32 v1, v4;
	_ =	sdelay $0x1  }
0xd4: {  	v3 =	vperm.xlane v3, v2;
	_ =	sdelay $0x1  }
0xd5: {  	v3 =	vadd.s32 v1, v3  }
0xd6: {  	[hbm4b:s3+s2] =	stream.indirect_vreg.scatter [tilespmem:s10], [sflag:$0xA], $0x80, v4, vm0, $0xb8;
	[tilespmem:$0xC100] =	vst v63  }
0xd7: {  	_ = 	snop  }
0xd8: {  	[hbm4b:s5+s2] =	stream.indirect_vreg.scatter [tilespmem:s0], [sflag:$0xA], $0x80, v4, vm1, $0xb8;
	[tilespmem:$0xC100] =	vst v63  }
0xd9: {  	_ = 	snop  }
0xda: {  	[hbm4b:s3+s2] =	stream.indirect_vreg.scatter [tilespmem:s1], [sflag:$0xA], $0x80, v3, vm0, $0xb8;
	[tilespmem:$0xC100] =	vst v63  }
0xdb: {  	_ = 	snop  }
0xdc: {  	[hbm4b:s5+s2] =	stream.indirect_vreg.scatter [tilespmem:s4], [sflag:$0xA], $0x80, v3, vm1, $0xb8;
	[tilespmem:$0xC100] =	vst v63  }
0xdd: {  	v3 =	vld [tilespmem:$0xD0];
	_ =	sdelay $0x4  }
0xde: {  	v59 =	vshrl.u32 v3, $0x3  }
0xdf: {  	v4 =	vmul.u32 $0x18, v59  }
0xe0: {  	v3 =	vand.u32 $0x7, v3  }
0xe1: {  	v3 =	vor.u32 v3, v4  }
0xe2: {  	v4 =	vperm.xlane v3, v0;
	_ =	sdelay $0x1  }
0xe3: {  	v4 =	vadd.s32 v1, v4;
	_ =	sdelay $0x1  }
0xe4: {  	v3 =	vperm.xlane v3, v2;
	_ =	sdelay $0x1  }
0xe5: {  	v3 =	vadd.s32 v1, v3  }
0xe6: {  	[hbm4b:s3+s2] =	stream.indirect_vreg.scatter [tilespmem:s13], [sflag:$0xA], $0x80, v4, vm0, $0xb8;
	[tilespmem:$0xC100] =	vst v63  }
0xe7: {  	_ = 	snop  }
0xe8: {  	[hbm4b:s5+s2] =	stream.indirect_vreg.scatter [tilespmem:s14], [sflag:$0xA], $0x80, v4, vm1, $0xb8;
	[tilespmem:$0xC100] =	vst v63  }
0xe9: {  	_ = 	snop  }
0xea: {  	[hbm4b:s3+s2] =	stream.indirect_vreg.scatter [tilespmem:s17], [sflag:$0xA], $0x80, v3, vm0, $0xb8;
	[tilespmem:$0xC100] =	vst v63  }
0xeb: {  	_ = 	snop  }
0xec: {  	[hbm4b:s5+s2] =	stream.indirect_vreg.scatter [tilespmem:s18], [sflag:$0xA], $0x80, v3, vm1, $0xb8;
	[tilespmem:$0xC100] =	vst v63  }
0xed: {  	_ =	swait.ge [sflag:s15], $0x3000  }
0xee: {  	[sflag:s15] =	ssyncset.done $0x0  }
0xef: {  	[sflag:s15] =	ssyncadd.s32 $0xFFFFD000  }
0xf0: {  	_ =	swait.ge [sflag:s16], $0x3000  }
0xf1: {  	[sflag:s16] =	ssyncset.done $0x0  }
0xf2: {  	[sflag:s16] =	ssyncadd.s32 $0xFFFFD000  }
0xf3: {  	v3 =	vld [tilespmem:$0x60];
	_ =	sdelay $0x4  }
0xf4: {  	v60 =	vshrl.u32 v3, $0x3  }
0xf5: {  	v4 =	vmul.u32 $0x18, v60  }
0xf6: {  	v3 =	vand.u32 $0x7, v3  }
0xf7: {  	v3 =	vor.u32 v3, v4  }
0xf8: {  	v4 =	vperm.xlane v3, v0;
	_ =	sdelay $0x1  }
0xf9: {  	v4 =	vadd.s32 v1, v4;
	_ =	sdelay $0x1  }
0xfa: {  	v3 =	vperm.xlane v3, v2;
	_ =	sdelay $0x1  }
0xfb: {  	v3 =	vadd.s32 v1, v3  }
0xfc: {  	[hbm4b:s3+s2] =	stream.indirect_vreg.scatter [tilespmem:s11], [sflag:$0x5], $0x80, v4, vm0, $0xb8;
	[tilespmem:$0xC100] =	vst v63  }
0xfd: {  	s17 =	simm.s32 $0x9900  }
0xfe: {  	[hbm4b:s5+s2] =	stream.indirect_vreg.scatter [tilespmem:s17], [sflag:$0x5], $0x80, v4, vm1, $0xb8;
	[tilespmem:$0xC100] =	vst v63  }
0xff: {  	s18 =	simm.s32 $0x9D00  }
0x100: {  	[hbm4b:s3+s2] =	stream.indirect_vreg.scatter [tilespmem:s18], [sflag:$0x5], $0x80, v3, vm0, $0xb8;
	[tilespmem:$0xC100] =	vst v63  }
0x101: {  	_ = 	snop  }
0x102: {  	[hbm4b:s5+s2] =	stream.indirect_vreg.scatter [tilespmem:s19], [sflag:$0x5], $0x80, v3, vm1, $0xb8;
	[tilespmem:$0xC100] =	vst v63  }
0x103: {  	v3 =	vld [tilespmem:$0x70];
	_ =	sdelay $0x4  }
0x104: {  	v61 =	vshrl.u32 v3, $0x3  }
0x105: {  	v4 =	vmul.u32 $0x18, v61  }
0x106: {  	v3 =	vand.u32 $0x7, v3  }
0x107: {  	v3 =	vor.u32 v3, v4  }
0x108: {  	v4 =	vperm.xlane v3, v0;
	_ =	sdelay $0x1  }
0x109: {  	v4 =	vadd.s32 v1, v4;
	_ =	sdelay $0x1  }
0x10a: {  	v3 =	vperm.xlane v3, v2;
	_ =	sdelay $0x1  }
0x10b: {  	v3 =	vadd.s32 v1, v3  }
0x10c: {  	[hbm4b:s3+s2] =	stream.indirect_vreg.scatter [tilespmem:s21], [sflag:$0x5], $0x80, v4, vm0, $0xb8;
	[tilespmem:$0xC100] =	vst v63  }
0x10d: {  	_ = 	snop  }
0x10e: {  	[hbm4b:s5+s2] =	stream.indirect_vreg.scatter [tilespmem:s22], [sflag:$0x5], $0x80, v4, vm1, $0xb8;
	[tilespmem:$0xC100] =	vst v63  }
0x10f: {  	_ = 	snop  }
0x110: {  	[hbm4b:s3+s2] =	stream.indirect_vreg.scatter [tilespmem:s23], [sflag:$0x5], $0x80, v3, vm0, $0xb8;
	[tilespmem:$0xC100] =	vst v63  }
0x111: {  	_ = 	snop  }
0x112: {  	[hbm4b:s5+s2] =	stream.indirect_vreg.scatter [tilespmem:s24], [sflag:$0x5], $0x80, v3, vm1, $0xb8;
	[tilespmem:$0xC100] =	vst v63  }
0x113: {  	_ =	swait.ge [sflag:s25], $0x3000  }
0x114: {  	[sflag:s25] =	ssyncset.done $0x0  }
0x115: {  	[sflag:s25] =	ssyncadd.s32 $0xFFFFD000  }
0x116: {  	v3 =	vld [tilespmem:$0xE0];
	_ =	sdelay $0x4  }
0x117: {  	v62 =	vshrl.u32 v3, $0x3  }
0x118: {  	v4 =	vmul.u32 $0x18, v62  }
0x119: {  	v3 =	vand.u32 $0x7, v3  }
0x11a: {  	v3 =	vor.u32 v3, v4  }
0x11b: {  	v4 =	vperm.xlane v3, v0;
	_ =	sdelay $0x1  }
0x11c: {  	v4 =	vadd.s32 v1, v4;
	_ =	sdelay $0x1  }
0x11d: {  	v3 =	vperm.xlane v3, v2;
	_ =	sdelay $0x1  }
0x11e: {  	v3 =	vadd.s32 v1, v3  }
0x11f: {  	[hbm4b:s3+s2] =	stream.indirect_vreg.scatter [tilespmem:s11], [sflag:$0x6], $0x80, v4, vm0, $0xb8;
	[tilespmem:$0xC100] =	vst v63  }
0x120: {  	_ = 	snop  }
0x121: {  	[hbm4b:s5+s2] =	stream.indirect_vreg.scatter [tilespmem:s17], [sflag:$0x6], $0x80, v4, vm1, $0xb8;
	[tilespmem:$0xC100] =	vst v63  }
0x122: {  	_ = 	snop  }
0x123: {  	[hbm4b:s3+s2] =	stream.indirect_vreg.scatter [tilespmem:s18], [sflag:$0x6], $0x80, v3, vm0, $0xb8;
	[tilespmem:$0xC100] =	vst v63  }
0x124: {  	_ = 	snop  }
0x125: {  	[hbm4b:s5+s2] =	stream.indirect_vreg.scatter [tilespmem:s19], [sflag:$0x6], $0x80, v3, vm1, $0xb8;
	[tilespmem:$0xC100] =	vst v63  }
0x126: {  	v3 =	vld [tilespmem:$0xF0];
	_ =	sdelay $0x4  }
0x127: {  	v63 =	vshrl.u32 v3, $0x3  }
0x128: {  	v4 =	vmul.u32 $0x18, v63  }
0x129: {  	v3 =	vand.u32 $0x7, v3  }
0x12a: {  	v3 =	vor.u32 v3, v4  }
0x12b: {  	v4 =	vperm.xlane v3, v0;
	_ =	sdelay $0x1  }
0x12c: {  	v4 =	vadd.s32 v1, v4;
	_ =	sdelay $0x1  }
0x12d: {  	v3 =	vperm.xlane v3, v2;
	_ =	sdelay $0x1  }
0x12e: {  	v3 =	vadd.s32 v1, v3  }
0x12f: {  	[hbm4b:s3+s2] =	stream.indirect_vreg.scatter [tilespmem:s21], [sflag:$0x6], $0x80, v4, vm0, $0xb8;
	[tilespmem:$0xC100] =	vst v63  }
0x130: {  	_ = 	snop  }
0x131: {  	[hbm4b:s5+s2] =	stream.indirect_vreg.scatter [tilespmem:s22], [sflag:$0x6], $0x80, v4, vm1, $0xb8;
	[tilespmem:$0xC100] =	vst v63  }
0x132: {  	_ = 	snop  }
0x133: {  	[hbm4b:s3+s2] =	stream.indirect_vreg.scatter [tilespmem:s23], [sflag:$0x6], $0x80, v3, vm0, $0xb8;
	[tilespmem:$0xC100] =	vst v63  }
0x134: {  	_ = 	snop  }
0x135: {  	[hbm4b:s5+s2] =	stream.indirect_vreg.scatter [tilespmem:s24], [sflag:$0x6], $0x80, v3, vm1, $0xb8;
	[tilespmem:$0xC100] =	vst v63  }
0x136: {  	_ =	swait.ge [sflag:s16], $0x3000  }
0x137: {  	[sflag:s16] =	ssyncset.done $0x0  }
0x138: {  	[sflag:s16] =	ssyncadd.s32 $0xFFFFD000  }
0x139: {  	_ =	swait.ge [sflag:s25], $0x3000  }
0x13a: {  	[sflag:s25] =	ssyncset.done $0x0  }
0x13b: {  	[sflag:s25] =	ssyncadd.s32 $0xFFFFD000  }
0x13c: {  	_ =	swait.ge [sflag:s26], $0x3000  }
0x13d: {  	[sflag:s26] =	ssyncset.done $0x0  }
0x13e: {  	[sflag:s26] =	ssyncadd.s32 $0xFFFFD000  }
0x13f: {  	_ =	swait.ge [sflag:s28], $0x3000  }
0x140: {  	[sflag:s28] =	ssyncset.done $0x0  }
0x141: {  	[sflag:s28] =	ssyncadd.s32 $0xFFFFD000  }
0x142: {  	p0 =	sne.s32 s6, $0x1;
	_ =	swait.ge [sflag:s30], $0x3000  }
.Ltmp0:
0x143: {  	[sflag:s30] =	ssyncset.done $0x0;
	(pc) =	sbr.rel @p0 .LBB2_1-.Ltmp0, $4  }
0x144: {  	[sflag:s30] =	ssyncadd.s32 $0xFFFFD000  }
0x145: {  	_ =	swait.ge [sflag:s31], $0x3000  }
0x146: {  	[sflag:s31] =	ssyncset.done $0x0  }
0x147: {  	s6 =	sadd.s32 $0xFFFFFFFF, s6;
	[sflag:s31] =	ssyncadd.s32 $0xFFFFD000  }
0x148: {  	_ =	sfence.sel $0x180000  }
0x149: {  	[bflag:$0x0] =	sbarrier.arrive $0xFFFF  }
0x14a: {  	_ =	strace $0x90000047  }
0x14b: {  	s0 =	stileid.u32;
	[bflag:$0x2] =	sbarrier.arrive $0xFFFF  }
0x14c: {  	p0 =	sne.s32 s0, $0x0;
	s0 =	rddreg [dreg:$0x2]  }
0x14d: {  	s0 =	sadd.s32 @!p0 $0x100000, s0  }
0x14e: {  	[sflag:s0] =	ssyncadd.tile.s32 @!p0 $0x1;
	_ =	shalt  }
.Lfunc_end2:
_tile_overlayer_lowered:
.L_overlay_start_2:
0x14f: {  	(tag) =	ssettag $0x2  }
0x150: {  	s0 =	rddreg [dreg:$0x0];
	s2 =	stileid.u32  }
0x151: {  	s1 =	rddreg [dreg:$0x1];
	p0 =	sne.s32 s2, $0x0  }
0x152: {  	s3 =	rddreg [dreg:$0x2];
	[bflag:$0x3] =	sbarrier.arrive $0xFFFF;
	s2 =	simm.s32 @!p0 $0x1C0B  }
0x153: {  	[timem:s3], [sflag:s2] =	dma.local @!p0 [hbm:s0], s1  }
0x154: {  	s0 =	simm.s32 @!p0 $0xB  }
0x155: {  	_ =	swait.ge @!p0 [sflag:s0], s1  }
0x156: {  	s1 =	ssub.s32 @!p0 $0x0, s1;
	[sflag:s0] =	ssyncset.done @!p0 $0x0  }
0x157: {  	[sflag:s0] =	ssyncadd.s32 @!p0 s1  }
0x158: {  	[bflag:$0x3] =	sbarrier.arrive $0xFFFF  }
0x159: {  	_ =	shalt  }

</sc_bundles>
